<compile_context>
chip_gen: v7x
topology: tpu7x:2x2x1
jax: 0.10.2.dev20260603
libtpu: 0.0.44.dev20260713+nightly
codegen_flags: <defaults>
</compile_context>

<pallas_src>
import functools

import jax
import jax.numpy as jnp
import numpy as np
from jax import lax
from jax.experimental import pallas as pl
from jax.experimental.pallas import tpu as pltpu
from jax.experimental.pallas import tpu_sc as plsc

NC = 2
NS = 16
NW = NC * NS
LANES = 16

MAX_SEQ_LEN = 256


def _pe_row(seq_len, d_model):
    j = np.arange(d_model, dtype=np.float32)
    angle = np.float32(seq_len) / np.power(np.float32(10000.0),
                                           2.0 * j / np.float32(d_model))
    pe = np.where(np.arange(d_model) % 2 == 0, np.sin(angle), np.cos(angle))
    return jnp.asarray(pe, dtype=jnp.float32)


@functools.partial(jax.jit, static_argnames=())
def _sc_embed(idx, table, pe):
    (n,) = idx.shape
    v, d = table.shape
    assert n % NW == 0
    rows_per_w = n // NW
    chunk = 640
    assert rows_per_w % chunk == 0
    n_chunks = rows_per_w // chunk
    gsz = 128
    n_gath = chunk // gsz
    n_pe = d // LANES

    mesh = plsc.VectorSubcoreMesh(core_axis_name="c", subcore_axis_name="s",
                                  num_cores=NC, num_subcores=NS)

    @functools.partial(
        pl.kernel,
        out_type=jax.ShapeDtypeStruct((n, d), jnp.float32),
        mesh=mesh,
        scratch_types=[
            pltpu.VMEM((rows_per_w,), jnp.int32),
            pltpu.VMEM((chunk, d), jnp.float32),
            pltpu.VMEM((chunk, d), jnp.float32),
            pltpu.VMEM((d,), jnp.float32),
            pltpu.SemaphoreType.DMA,
            pltpu.SemaphoreType.DMA,
        ],
        compiler_params=pltpu.CompilerParams(use_tc_tiling_on_sc=False),
    )
    def k(idx_hbm, table_hbm, pe_hbm, out_hbm,
          idx_v, rows0_v, rows1_v, pe_v, sem0, sem1):
        wid = lax.axis_index("s") * NC + lax.axis_index("c")
        base = wid * rows_per_w
        pltpu.sync_copy(idx_hbm.at[pl.ds(base, rows_per_w)], idx_v)
        pltpu.sync_copy(pe_hbm, pe_v)
        pe_regs = [pe_v[pl.ds(LANES * j, LANES)] for j in range(n_pe)]

        def fire(c, buf, sem):
            off = c * chunk
            for g in range(n_gath):
                pltpu.async_copy(
                    table_hbm.at[idx_v.at[pl.ds(off + g * gsz, gsz)]],
                    buf.at[pl.ds(g * gsz, gsz)],
                    sem,
                )

        def drain(buf, sem):
            pltpu.make_async_copy(out_hbm.at[pl.ds(0, chunk)], buf, sem).wait()

        def process(c, buf):
            def row_body(i, rcarry):
                for j in range(n_pe):
                    plsc.addupdate(buf.at[i, pl.ds(LANES * j, LANES)],
                                   pe_regs[j])
                return rcarry
            lax.fori_loop(0, chunk, row_body, 0, unroll=2)
            pltpu.sync_copy(buf, out_hbm.at[pl.ds(base + c * chunk, chunk)])

        fire(0, rows0_v, sem0)

        def pair_body(c2, carry):
            c = 2 * c2
            fire(c + 1, rows1_v, sem1)
            drain(rows0_v, sem0)
            process(c, rows0_v)

            @pl.when(c2 < n_chunks // 2 - 1)
            def _():
                fire(c + 2, rows0_v, sem0)

            drain(rows1_v, sem1)
            process(c + 1, rows1_v)
            return carry

        lax.fori_loop(0, n_chunks // 2, pair_body, 0)

    return k(idx, table, pe)


def kernel(x, table):
    b, l = x.shape
    _, d = table.shape
    idx = x.reshape(-1).astype(jnp.int32)
    pe = _pe_row(l, d)
    out = _sc_embed(idx, table, pe)
    return out.reshape(b, l, d)

# --- scband reference (transcript-rebuilt; emitter-appended) ---
"""Pipeline reference for scband-embedding-26594437497100 (READ-ONLY COPY).

The authoritative reference and input builder live on the scoring server;
editing this copy changes nothing except your own understanding.
"""

import jax, jax.numpy as jnp
import numpy as np

D_MODEL = 64
VOCAB = 1000000
MAX_SEQ_LEN = 256


def make_pe(max_seq_len, d_model):
    i = jnp.arange(max_seq_len, dtype=jnp.float32)[:, None]
    j = jnp.arange(d_model, dtype=jnp.float32)[None, :]
    angle = i / jnp.power(10000.0, 2.0 * j / d_model)
    even = (jnp.arange(d_model) % 2 == 0)[None, :]
    pe = jnp.where(even, jnp.sin(angle), jnp.cos(angle))
    return pe  # [max_seq_len, d_model]


def setup_inputs(seed: int = 0) -> dict:
    key = jax.random.key(seed)
    k1, k2 = jax.random.split(key)
    x = jax.random.randint(k1, (1024, 200), 0, VOCAB, dtype=jnp.int32)
    table = jax.random.normal(k2, (VOCAB, D_MODEL), dtype=jnp.float32)
    return {"x": x, "table": table}


def reference(x, table):
    # embedding lookup (gather)
    embed_out = jnp.take(table, x, axis=0)  # [B, L, D]
    L = embed_out.shape[1]
    # original module indexes pe at scalar position L: pe[:, L, :] -> [1, D]
    pe = make_pe(MAX_SEQ_LEN, D_MODEL)
    pe_row = pe[L][None, :]  # [1, D], broadcasts over [B, L, D]
    out = pe_row + embed_out
    # dropout p=0.0 -> identity
    return out

if __name__ == "__main__":
    import jax
    _d = setup_inputs()
    print(jax.jit(kernel)(*tuple(_d.values())))

</pallas_src>

<mosaic_0001>
#map = affine_map<(d0, d1) -> (0)>
#map1 = affine_map<(d0, d1) -> (0, 0)>
module attributes {stable_mosaic.version = 14 : i64} {
  func.func @k(%arg0: i32, %arg1: i32, %arg2: memref<204800xi32, #tpu.memory_space<hbm>>, %arg3: memref<1000000x64xf32, #tpu.memory_space<hbm>>, %arg4: memref<64xf32, #tpu.memory_space<hbm>>, %arg5: memref<204800x64xf32, #tpu.memory_space<hbm>>, %arg6: memref<6400xi32, #tpu.memory_space<vmem>>, %arg7: memref<640x64xf32, #tpu.memory_space<vmem>>, %arg8: memref<640x64xf32, #tpu.memory_space<vmem>>, %arg9: memref<64xf32, #tpu.memory_space<vmem>>, %arg10: memref<!tpu.dma_semaphore, #tpu.memory_space<semaphore_mem>>, %arg11: memref<!tpu.dma_semaphore, #tpu.memory_space<semaphore_mem>>) attributes {dimension_semantics = [#tpu.dimension_semantics<core_parallel>, #tpu.dimension_semantics<subcore_parallel>], iteration_bounds = array<i64: 2, 16>, scalar_prefetch = 0 : i64, scratch_operands = 6 : i64, tpu.core_type = #tpu.core_type<sc_vector_subcore>, window_params = [{transform_indices = #map}, {transform_indices = #map1}, {transform_indices = #map}, {transform_indices = #map1}]} {
    %mul3A = arith.constant 2 : i32
    %mul3A_0 = arith.muli %arg1, %mul3A : i32
    %add3A = arith.addi %mul3A_0, %arg0 : i32
    %mul3A_1 = arith.constant 6400 : i32
    %mul3A_2 = arith.muli %add3A, %mul3A_1 : i32
    "tpu.region"() ({
      %run_scoped3A = tpu.sem_alloc : memref<!tpu.dma_semaphore, #tpu.memory_space<semaphore_mem>>
      %dma_start3A_58 = tpu.memref_slice %arg2[%mul3A_2] : memref<204800xi32, #tpu.memory_space<hbm>> -> memref<6400xi32, #tpu.memory_space<hbm>>
      %dma_start3A_59 = tpu.memref_slice %arg2[%mul3A_2] : memref<204800xi32, #tpu.memory_space<hbm>> -> memref<6400xi32, #tpu.memory_space<hbm>>
      tpu.enqueue_dma source(%dma_start3A_59 : memref<6400xi32, #tpu.memory_space<hbm>>) target(%arg6 : memref<6400xi32, #tpu.memory_space<vmem>>) target_semaphore(%run_scoped3A : memref<!tpu.dma_semaphore, #tpu.memory_space<semaphore_mem>>)
      %dma_wait3A = tpu.memref_slice %arg2[%mul3A_2] : memref<204800xi32, #tpu.memory_space<hbm>> -> memref<6400xi32, #tpu.memory_space<hbm>>
      %dma_wait3A_60 = tpu.memref_slice %arg2[%mul3A_2] : memref<204800xi32, #tpu.memory_space<hbm>> -> memref<6400xi32, #tpu.memory_space<hbm>>
      tpu.wait_dma2 semaphore(%run_scoped3A : memref<!tpu.dma_semaphore, #tpu.memory_space<semaphore_mem>>) src(%dma_wait3A_60 : memref<6400xi32, #tpu.memory_space<hbm>>) dst(%arg6 : memref<6400xi32, #tpu.memory_space<vmem>>)
      tpu.yield
    }) : () -> ()
    "tpu.region"() ({
      %run_scoped3A = tpu.sem_alloc : memref<!tpu.dma_semaphore, #tpu.memory_space<semaphore_mem>>
      tpu.enqueue_dma source(%arg4 : memref<64xf32, #tpu.memory_space<hbm>>) target(%arg9 : memref<64xf32, #tpu.memory_space<vmem>>) target_semaphore(%run_scoped3A : memref<!tpu.dma_semaphore, #tpu.memory_space<semaphore_mem>>)
      tpu.wait_dma2 semaphore(%run_scoped3A : memref<!tpu.dma_semaphore, #tpu.memory_space<semaphore_mem>>) src(%arg4 : memref<64xf32, #tpu.memory_space<hbm>>) dst(%arg9 : memref<64xf32, #tpu.memory_space<vmem>>)
      tpu.yield
    }) : () -> ()
    %get3A = arith.constant 0 : index
    %get3A_3 = tpu.vector_load %arg9[%get3A] {strides = array<i32>} : memref<64xf32, #tpu.memory_space<vmem>>, vector<16xf32>,
    %get3A_4 = vector.shape_cast %get3A_3 : vector<16xf32> to vector<16xf32>
    %get3A_5 = arith.constant 16 : index
    %get3A_6 = tpu.vector_load %arg9[%get3A_5] {strides = array<i32>} : memref<64xf32, #tpu.memory_space<vmem>>, vector<16xf32>,
    %get3A_7 = vector.shape_cast %get3A_6 : vector<16xf32> to vector<16xf32>
    %get3A_8 = arith.constant 32 : index
    %get3A_9 = tpu.vector_load %arg9[%get3A_8] {strides = array<i32>} : memref<64xf32, #tpu.memory_space<vmem>>, vector<16xf32>,
    %get3A_10 = vector.shape_cast %get3A_9 : vector<16xf32> to vector<16xf32>
    %get3A_11 = arith.constant 48 : index
    %get3A_12 = tpu.vector_load %arg9[%get3A_11] {strides = array<i32>} : memref<64xf32, #tpu.memory_space<vmem>>, vector<16xf32>,
    %get3A_13 = vector.shape_cast %get3A_12 : vector<16xf32> to vector<16xf32>
    %dma_start3A = arith.constant 0 : i32
    %dma_start3A_14 = arith.constant 0 : i32
    %dma_start3A_15 = tpu.memref_slice %arg7[%dma_start3A, %dma_start3A_14] : memref<640x64xf32, #tpu.memory_space<vmem>> -> memref<128x64xf32, #tpu.memory_space<vmem>>
    %dma_start3A_16 = arith.constant 0 : i32
    %dma_start3A_17 = tpu.memref_slice %arg6[%dma_start3A_16] : memref<6400xi32, #tpu.memory_space<vmem>> -> memref<128xi32, #tpu.memory_space<vmem>>
    %dma_start3A_18 = arith.constant 0 : i32
    %dma_start3A_19 = arith.constant 0 : i32
    %dma_start3A_20 = tpu.memref_slice %arg3[%dma_start3A_18, %dma_start3A_19] : memref<1000000x64xf32, #tpu.memory_space<hbm>> -> memref<1000000x64xf32, #tpu.memory_space<hbm>>
    tpu.enqueue_indirect_dma source(%dma_start3A_20 : memref<1000000x64xf32, #tpu.memory_space<hbm>>) target(%dma_start3A_15 : memref<128x64xf32, #tpu.memory_space<vmem>>) offsets(%dma_start3A_17 : memref<128xi32, #tpu.memory_space<vmem>>) semaphore(%arg10 : memref<!tpu.dma_semaphore, #tpu.memory_space<semaphore_mem>>)
    %dma_start3A_21 = arith.constant 128 : i32
    %dma_start3A_22 = arith.constant 0 : i32
    %dma_start3A_23 = tpu.memref_slice %arg7[%dma_start3A_21, %dma_start3A_22] : memref<640x64xf32, #tpu.memory_space<vmem>> -> memref<128x64xf32, #tpu.memory_space<vmem>>
    %dma_start3A_24 = arith.constant 128 : i32
    %dma_start3A_25 = tpu.memref_slice %arg6[%dma_start3A_24] : memref<6400xi32, #tpu.memory_space<vmem>> -> memref<128xi32, #tpu.memory_space<vmem>>
    %dma_start3A_26 = arith.constant 0 : i32
    %dma_start3A_27 = arith.constant 0 : i32
    %dma_start3A_28 = tpu.memref_slice %arg3[%dma_start3A_26, %dma_start3A_27] : memref<1000000x64xf32, #tpu.memory_space<hbm>> -> memref<1000000x64xf32, #tpu.memory_space<hbm>>
    tpu.enqueue_indirect_dma source(%dma_start3A_28 : memref<1000000x64xf32, #tpu.memory_space<hbm>>) target(%dma_start3A_23 : memref<128x64xf32, #tpu.memory_space<vmem>>) offsets(%dma_start3A_25 : memref<128xi32, #tpu.memory_space<vmem>>) semaphore(%arg10 : memref<!tpu.dma_semaphore, #tpu.memory_space<semaphore_mem>>)
    %dma_start3A_29 = arith.constant 256 : i32
    %dma_start3A_30 = arith.constant 0 : i32
    %dma_start3A_31 = tpu.memref_slice %arg7[%dma_start3A_29, %dma_start3A_30] : memref<640x64xf32, #tpu.memory_space<vmem>> -> memref<128x64xf32, #tpu.memory_space<vmem>>
    %dma_start3A_32 = arith.constant 256 : i32
    %dma_start3A_33 = tpu.memref_slice %arg6[%dma_start3A_32] : memref<6400xi32, #tpu.memory_space<vmem>> -> memref<128xi32, #tpu.memory_space<vmem>>
    %dma_start3A_34 = arith.constant 0 : i32
    %dma_start3A_35 = arith.constant 0 : i32
    %dma_start3A_36 = tpu.memref_slice %arg3[%dma_start3A_34, %dma_start3A_35] : memref<1000000x64xf32, #tpu.memory_space<hbm>> -> memref<1000000x64xf32, #tpu.memory_space<hbm>>
    tpu.enqueue_indirect_dma source(%dma_start3A_36 : memref<1000000x64xf32, #tpu.memory_space<hbm>>) target(%dma_start3A_31 : memref<128x64xf32, #tpu.memory_space<vmem>>) offsets(%dma_start3A_33 : memref<128xi32, #tpu.memory_space<vmem>>) semaphore(%arg10 : memref<!tpu.dma_semaphore, #tpu.memory_space<semaphore_mem>>)
    %dma_start3A_37 = arith.constant 384 : i32
    %dma_start3A_38 = arith.constant 0 : i32
    %dma_start3A_39 = tpu.memref_slice %arg7[%dma_start3A_37, %dma_start3A_38] : memref<640x64xf32, #tpu.memory_space<vmem>> -> memref<128x64xf32, #tpu.memory_space<vmem>>
    %dma_start3A_40 = arith.constant 384 : i32
    %dma_start3A_41 = tpu.memref_slice %arg6[%dma_start3A_40] : memref<6400xi32, #tpu.memory_space<vmem>> -> memref<128xi32, #tpu.memory_space<vmem>>
    %dma_start3A_42 = arith.constant 0 : i32
    %dma_start3A_43 = arith.constant 0 : i32
    %dma_start3A_44 = tpu.memref_slice %arg3[%dma_start3A_42, %dma_start3A_43] : memref<1000000x64xf32, #tpu.memory_space<hbm>> -> memref<1000000x64xf32, #tpu.memory_space<hbm>>
    tpu.enqueue_indirect_dma source(%dma_start3A_44 : memref<1000000x64xf32, #tpu.memory_space<hbm>>) target(%dma_start3A_39 : memref<128x64xf32, #tpu.memory_space<vmem>>) offsets(%dma_start3A_41 : memref<128xi32, #tpu.memory_space<vmem>>) semaphore(%arg10 : memref<!tpu.dma_semaphore, #tpu.memory_space<semaphore_mem>>)
    %dma_start3A_45 = arith.constant 512 : i32
    %dma_start3A_46 = arith.constant 0 : i32
    %dma_start3A_47 = tpu.memref_slice %arg7[%dma_start3A_45, %dma_start3A_46] : memref<640x64xf32, #tpu.memory_space<vmem>> -> memref<128x64xf32, #tpu.memory_space<vmem>>
    %dma_start3A_48 = arith.constant 512 : i32
    %dma_start3A_49 = tpu.memref_slice %arg6[%dma_start3A_48] : memref<6400xi32, #tpu.memory_space<vmem>> -> memref<128xi32, #tpu.memory_space<vmem>>
    %dma_start3A_50 = arith.constant 0 : i32
    %dma_start3A_51 = arith.constant 0 : i32
    %dma_start3A_52 = tpu.memref_slice %arg3[%dma_start3A_50, %dma_start3A_51] : memref<1000000x64xf32, #tpu.memory_space<hbm>> -> memref<1000000x64xf32, #tpu.memory_space<hbm>>
    tpu.enqueue_indirect_dma source(%dma_start3A_52 : memref<1000000x64xf32, #tpu.memory_space<hbm>>) target(%dma_start3A_47 : memref<128x64xf32, #tpu.memory_space<vmem>>) offsets(%dma_start3A_49 : memref<128xi32, #tpu.memory_space<vmem>>) semaphore(%arg10 : memref<!tpu.dma_semaphore, #tpu.memory_space<semaphore_mem>>)
    %scan3A = arith.constant 0 : i32
    %scan3A_53 = arith.constant 0 : i32
    %scan3A_54 = arith.constant 5 : i32
    %scan3A_55 = arith.addi %scan3A_53, %scan3A_54 : i32
    %scan3A_56 = arith.constant 1 : i32
    scf.for %scan3A_58 = %scan3A_53 to %scan3A_55 step %scan3A_56  : i32 {
      %mul3A_59 = arith.constant 2 : i32
      %mul3A_60 = arith.muli %mul3A_59, %scan3A_58 : i32
      %add3A_61 = arith.constant 1 : i32
      %add3A_62 = arith.addi %mul3A_60, %add3A_61 : i32
      %mul3A_63 = arith.constant 640 : i32
      %mul3A_64 = arith.muli %add3A_62, %mul3A_63 : i32
      %add3A_65 = arith.constant 0 : i32
      %add3A_66 = arith.addi %mul3A_64, %add3A_65 : i32
      %dma_start3A_67 = arith.constant 0 : i32
      %dma_start3A_68 = arith.constant 0 : i32
      %dma_start3A_69 = tpu.memref_slice %arg8[%dma_start3A_67, %dma_start3A_68] : memref<640x64xf32, #tpu.memory_space<vmem>> -> memref<128x64xf32, #tpu.memory_space<vmem>>
      %dma_start3A_70 = tpu.memref_slice %arg6[%add3A_66] : memref<6400xi32, #tpu.memory_space<vmem>> -> memref<128xi32, #tpu.memory_space<vmem>>
      %dma_start3A_71 = arith.constant 0 : i32
      %dma_start3A_72 = arith.constant 0 : i32
      %dma_start3A_73 = tpu.memref_slice %arg3[%dma_start3A_71, %dma_start3A_72] : memref<1000000x64xf32, #tpu.memory_space<hbm>> -> memref<1000000x64xf32, #tpu.memory_space<hbm>>
      tpu.enqueue_indirect_dma source(%dma_start3A_73 : memref<1000000x64xf32, #tpu.memory_space<hbm>>) target(%dma_start3A_69 : memref<128x64xf32, #tpu.memory_space<vmem>>) offsets(%dma_start3A_70 : memref<128xi32, #tpu.memory_space<vmem>>) semaphore(%arg11 : memref<!tpu.dma_semaphore, #tpu.memory_space<semaphore_mem>>)
      %add3A_74 = arith.constant 128 : i32
      %add3A_75 = arith.addi %mul3A_64, %add3A_74 : i32
      %dma_start3A_76 = arith.constant 128 : i32
      %dma_start3A_77 = arith.constant 0 : i32
      %dma_start3A_78 = tpu.memref_slice %arg8[%dma_start3A_76, %dma_start3A_77] : memref<640x64xf32, #tpu.memory_space<vmem>> -> memref<128x64xf32, #tpu.memory_space<vmem>>
      %dma_start3A_79 = tpu.memref_slice %arg6[%add3A_75] : memref<6400xi32, #tpu.memory_space<vmem>> -> memref<128xi32, #tpu.memory_space<vmem>>
      %dma_start3A_80 = arith.constant 0 : i32
      %dma_start3A_81 = arith.constant 0 : i32
      %dma_start3A_82 = tpu.memref_slice %arg3[%dma_start3A_80, %dma_start3A_81] : memref<1000000x64xf32, #tpu.memory_space<hbm>> -> memref<1000000x64xf32, #tpu.memory_space<hbm>>
      tpu.enqueue_indirect_dma source(%dma_start3A_82 : memref<1000000x64xf32, #tpu.memory_space<hbm>>) target(%dma_start3A_78 : memref<128x64xf32, #tpu.memory_space<vmem>>) offsets(%dma_start3A_79 : memref<128xi32, #tpu.memory_space<vmem>>) semaphore(%arg11 : memref<!tpu.dma_semaphore, #tpu.memory_space<semaphore_mem>>)
      %add3A_83 = arith.constant 256 : i32
      %add3A_84 = arith.addi %mul3A_64, %add3A_83 : i32
      %dma_start3A_85 = arith.constant 256 : i32
      %dma_start3A_86 = arith.constant 0 : i32
      %dma_start3A_87 = tpu.memref_slice %arg8[%dma_start3A_85, %dma_start3A_86] : memref<640x64xf32, #tpu.memory_space<vmem>> -> memref<128x64xf32, #tpu.memory_space<vmem>>
      %dma_start3A_88 = tpu.memref_slice %arg6[%add3A_84] : memref<6400xi32, #tpu.memory_space<vmem>> -> memref<128xi32, #tpu.memory_space<vmem>>
      %dma_start3A_89 = arith.constant 0 : i32
      %dma_start3A_90 = arith.constant 0 : i32
      %dma_start3A_91 = tpu.memref_slice %arg3[%dma_start3A_89, %dma_start3A_90] : memref<1000000x64xf32, #tpu.memory_space<hbm>> -> memref<1000000x64xf32, #tpu.memory_space<hbm>>
      tpu.enqueue_indirect_dma source(%dma_start3A_91 : memref<1000000x64xf32, #tpu.memory_space<hbm>>) target(%dma_start3A_87 : memref<128x64xf32, #tpu.memory_space<vmem>>) offsets(%dma_start3A_88 : memref<128xi32, #tpu.memory_space<vmem>>) semaphore(%arg11 : memref<!tpu.dma_semaphore, #tpu.memory_space<semaphore_mem>>)
      %add3A_92 = arith.constant 384 : i32
      %add3A_93 = arith.addi %mul3A_64, %add3A_92 : i32
      %dma_start3A_94 = arith.constant 384 : i32
      %dma_start3A_95 = arith.constant 0 : i32
      %dma_start3A_96 = tpu.memref_slice %arg8[%dma_start3A_94, %dma_start3A_95] : memref<640x64xf32, #tpu.memory_space<vmem>> -> memref<128x64xf32, #tpu.memory_space<vmem>>
      %dma_start3A_97 = tpu.memref_slice %arg6[%add3A_93] : memref<6400xi32, #tpu.memory_space<vmem>> -> memref<128xi32, #tpu.memory_space<vmem>>
      %dma_start3A_98 = arith.constant 0 : i32
      %dma_start3A_99 = arith.constant 0 : i32
      %dma_start3A_100 = tpu.memref_slice %arg3[%dma_start3A_98, %dma_start3A_99] : memref<1000000x64xf32, #tpu.memory_space<hbm>> -> memref<1000000x64xf32, #tpu.memory_space<hbm>>
      tpu.enqueue_indirect_dma source(%dma_start3A_100 : memref<1000000x64xf32, #tpu.memory_space<hbm>>) target(%dma_start3A_96 : memref<128x64xf32, #tpu.memory_space<vmem>>) offsets(%dma_start3A_97 : memref<128xi32, #tpu.memory_space<vmem>>) semaphore(%arg11 : memref<!tpu.dma_semaphore, #tpu.memory_space<semaphore_mem>>)
      %add3A_101 = arith.constant 512 : i32
      %add3A_102 = arith.addi %mul3A_64, %add3A_101 : i32
      %dma_start3A_103 = arith.constant 512 : i32
      %dma_start3A_104 = arith.constant 0 : i32
      %dma_start3A_105 = tpu.memref_slice %arg8[%dma_start3A_103, %dma_start3A_104] : memref<640x64xf32, #tpu.memory_space<vmem>> -> memref<128x64xf32, #tpu.memory_space<vmem>>
      %dma_start3A_106 = tpu.memref_slice %arg6[%add3A_102] : memref<6400xi32, #tpu.memory_space<vmem>> -> memref<128xi32, #tpu.memory_space<vmem>>
      %dma_start3A_107 = arith.constant 0 : i32
      %dma_start3A_108 = arith.constant 0 : i32
      %dma_start3A_109 = tpu.memref_slice %arg3[%dma_start3A_107, %dma_start3A_108] : memref<1000000x64xf32, #tpu.memory_space<hbm>> -> memref<1000000x64xf32, #tpu.memory_space<hbm>>
      tpu.enqueue_indirect_dma source(%dma_start3A_109 : memref<1000000x64xf32, #tpu.memory_space<hbm>>) target(%dma_start3A_105 : memref<128x64xf32, #tpu.memory_space<vmem>>) offsets(%dma_start3A_106 : memref<128xi32, #tpu.memory_space<vmem>>) semaphore(%arg11 : memref<!tpu.dma_semaphore, #tpu.memory_space<semaphore_mem>>)
      %dma_wait3A = arith.constant 0 : i32
      %dma_wait3A_110 = arith.constant 0 : i32
      %dma_wait3A_111 = tpu.memref_slice %arg5[%dma_wait3A, %dma_wait3A_110] : memref<204800x64xf32, #tpu.memory_space<hbm>> -> memref<640x64xf32, #tpu.memory_space<hbm>>
      %dma_wait3A_112 = arith.constant 0 : i32
      %dma_wait3A_113 = arith.constant 0 : i32
      %dma_wait3A_114 = tpu.memref_slice %arg5[%dma_wait3A_112, %dma_wait3A_113] : memref<204800x64xf32, #tpu.memory_space<hbm>> -> memref<640x64xf32, #tpu.memory_space<hbm>>
      tpu.wait_dma2 semaphore(%arg10 : memref<!tpu.dma_semaphore, #tpu.memory_space<semaphore_mem>>) src(%dma_wait3A_114 : memref<640x64xf32, #tpu.memory_space<hbm>>) dst(%arg7 : memref<640x64xf32, #tpu.memory_space<vmem>>)
      %scan3A_115 = arith.constant 0 : i32
      %scan3A_116 = arith.constant 0 : i32
      %scan3A_117 = arith.constant 640 : i32
      %scan3A_118 = arith.addi %scan3A_116, %scan3A_117 : i32
      %scan3A_119 = arith.constant 2 : i32
      scf.for %scan3A_143 = %scan3A_116 to %scan3A_118 step %scan3A_119  : i32 {
        %swap3A = arith.index_cast %scan3A_143 : i32 to index
        %swap3A_144 = arith.constant 0 : index
        %swap3A_145 = tpu.vector_load %arg7[%swap3A, %swap3A_144] {strides = array<i32>} : memref<640x64xf32, #tpu.memory_space<vmem>>, vector<1x16xf32>,
        %swap3A_146 = vector.shape_cast %swap3A_145 : vector<1x16xf32> to vector<16xf32>
        %swap3A_147 = vector.shape_cast %get3A_4 : vector<16xf32> to vector<1x16xf32>
        tpu.vector_store %arg7[%swap3A, %swap3A_144], %swap3A_147 {add = true, strides = array<i32>} : memref<640x64xf32, #tpu.memory_space<vmem>>, vector<1x16xf32>,
        %swap3A_148 = arith.index_cast %scan3A_143 : i32 to index
        %swap3A_149 = arith.constant 16 : index
        %swap3A_150 = tpu.vector_load %arg7[%swap3A_148, %swap3A_149] {strides = array<i32>} : memref<640x64xf32, #tpu.memory_space<vmem>>, vector<1x16xf32>,
        %swap3A_151 = vector.shape_cast %swap3A_150 : vector<1x16xf32> to vector<16xf32>
        %swap3A_152 = vector.shape_cast %get3A_7 : vector<16xf32> to vector<1x16xf32>
        tpu.vector_store %arg7[%swap3A_148, %swap3A_149], %swap3A_152 {add = true, strides = array<i32>} : memref<640x64xf32, #tpu.memory_space<vmem>>, vector<1x16xf32>,
        %swap3A_153 = arith.index_cast %scan3A_143 : i32 to index
        %swap3A_154 = arith.constant 32 : index
        %swap3A_155 = tpu.vector_load %arg7[%swap3A_153, %swap3A_154] {strides = array<i32>} : memref<640x64xf32, #tpu.memory_space<vmem>>, vector<1x16xf32>,
        %swap3A_156 = vector.shape_cast %swap3A_155 : vector<1x16xf32> to vector<16xf32>
        %swap3A_157 = vector.shape_cast %get3A_10 : vector<16xf32> to vector<1x16xf32>
        tpu.vector_store %arg7[%swap3A_153, %swap3A_154], %swap3A_157 {add = true, strides = array<i32>} : memref<640x64xf32, #tpu.memory_space<vmem>>, vector<1x16xf32>,
        %swap3A_158 = arith.index_cast %scan3A_143 : i32 to index
        %swap3A_159 = arith.constant 48 : index
        %swap3A_160 = tpu.vector_load %arg7[%swap3A_158, %swap3A_159] {strides = array<i32>} : memref<640x64xf32, #tpu.memory_space<vmem>>, vector<1x16xf32>,
        %swap3A_161 = vector.shape_cast %swap3A_160 : vector<1x16xf32> to vector<16xf32>
        %swap3A_162 = vector.shape_cast %get3A_13 : vector<16xf32> to vector<1x16xf32>
        tpu.vector_store %arg7[%swap3A_158, %swap3A_159], %swap3A_162 {add = true, strides = array<i32>} : memref<640x64xf32, #tpu.memory_space<vmem>>, vector<1x16xf32>,
        %scan3A_163 = arith.constant 1 : i32
        %scan3A_164 = arith.addi %scan3A_143, %scan3A_163 : i32
        %swap3A_165 = arith.index_cast %scan3A_164 : i32 to index
        %swap3A_166 = arith.constant 0 : index
        %swap3A_167 = tpu.vector_load %arg7[%swap3A_165, %swap3A_166] {strides = array<i32>} : memref<640x64xf32, #tpu.memory_space<vmem>>, vector<1x16xf32>,
        %swap3A_168 = vector.shape_cast %swap3A_167 : vector<1x16xf32> to vector<16xf32>
        %swap3A_169 = vector.shape_cast %get3A_4 : vector<16xf32> to vector<1x16xf32>
        tpu.vector_store %arg7[%swap3A_165, %swap3A_166], %swap3A_169 {add = true, strides = array<i32>} : memref<640x64xf32, #tpu.memory_space<vmem>>, vector<1x16xf32>,
        %swap3A_170 = arith.index_cast %scan3A_164 : i32 to index
        %swap3A_171 = arith.constant 16 : index
        %swap3A_172 = tpu.vector_load %arg7[%swap3A_170, %swap3A_171] {strides = array<i32>} : memref<640x64xf32, #tpu.memory_space<vmem>>, vector<1x16xf32>,
        %swap3A_173 = vector.shape_cast %swap3A_172 : vector<1x16xf32> to vector<16xf32>
        %swap3A_174 = vector.shape_cast %get3A_7 : vector<16xf32> to vector<1x16xf32>
        tpu.vector_store %arg7[%swap3A_170, %swap3A_171], %swap3A_174 {add = true, strides = array<i32>} : memref<640x64xf32, #tpu.memory_space<vmem>>, vector<1x16xf32>,
        %swap3A_175 = arith.index_cast %scan3A_164 : i32 to index
        %swap3A_176 = arith.constant 32 : index
        %swap3A_177 = tpu.vector_load %arg7[%swap3A_175, %swap3A_176] {strides = array<i32>} : memref<640x64xf32, #tpu.memory_space<vmem>>, vector<1x16xf32>,
        %swap3A_178 = vector.shape_cast %swap3A_177 : vector<1x16xf32> to vector<16xf32>
        %swap3A_179 = vector.shape_cast %get3A_10 : vector<16xf32> to vector<1x16xf32>
        tpu.vector_store %arg7[%swap3A_175, %swap3A_176], %swap3A_179 {add = true, strides = array<i32>} : memref<640x64xf32, #tpu.memory_space<vmem>>, vector<1x16xf32>,
        %swap3A_180 = arith.index_cast %scan3A_164 : i32 to index
        %swap3A_181 = arith.constant 48 : index
        %swap3A_182 = tpu.vector_load %arg7[%swap3A_180, %swap3A_181] {strides = array<i32>} : memref<640x64xf32, #tpu.memory_space<vmem>>, vector<1x16xf32>,
        %swap3A_183 = vector.shape_cast %swap3A_182 : vector<1x16xf32> to vector<16xf32>
        %swap3A_184 = vector.shape_cast %get3A_13 : vector<16xf32> to vector<1x16xf32>
        tpu.vector_store %arg7[%swap3A_180, %swap3A_181], %swap3A_184 {add = true, strides = array<i32>} : memref<640x64xf32, #tpu.memory_space<vmem>>, vector<1x16xf32>,
      }
      %scan3A_120 = arith.constant 640 : i32
      %mul3A_121 = arith.constant 640 : i32
      %mul3A_122 = arith.muli %mul3A_60, %mul3A_121 : i32
      %add3A_123 = arith.addi %mul3A_2, %mul3A_122 : i32
      "tpu.region"() ({
        %run_scoped3A = tpu.sem_alloc : memref<!tpu.dma_semaphore, #tpu.memory_space<semaphore_mem>>
        %dma_start3A_143 = arith.constant 0 : i32
        %dma_start3A_144 = tpu.memref_slice %arg5[%add3A_123, %dma_start3A_143] : memref<204800x64xf32, #tpu.memory_space<hbm>> -> memref<640x64xf32, #tpu.memory_space<hbm>>
        %dma_start3A_145 = arith.constant 0 : i32
        %dma_start3A_146 = tpu.memref_slice %arg5[%add3A_123, %dma_start3A_145] : memref<204800x64xf32, #tpu.memory_space<hbm>> -> memref<640x64xf32, #tpu.memory_space<hbm>>
        tpu.enqueue_dma source(%arg7 : memref<640x64xf32, #tpu.memory_space<vmem>>) target(%dma_start3A_146 : memref<640x64xf32, #tpu.memory_space<hbm>>) target_semaphore(%run_scoped3A : memref<!tpu.dma_semaphore, #tpu.memory_space<semaphore_mem>>)
        %dma_wait3A_147 = arith.constant 0 : i32
        %dma_wait3A_148 = tpu.memref_slice %arg5[%add3A_123, %dma_wait3A_147] : memref<204800x64xf32, #tpu.memory_space<hbm>> -> memref<640x64xf32, #tpu.memory_space<hbm>>
        %dma_wait3A_149 = arith.constant 0 : i32
        %dma_wait3A_150 = tpu.memref_slice %arg5[%add3A_123, %dma_wait3A_149] : memref<204800x64xf32, #tpu.memory_space<hbm>> -> memref<640x64xf32, #tpu.memory_space<hbm>>
        tpu.wait_dma2 semaphore(%run_scoped3A : memref<!tpu.dma_semaphore, #tpu.memory_space<semaphore_mem>>) src(%arg7 : memref<640x64xf32, #tpu.memory_space<vmem>>) dst(%dma_wait3A_150 : memref<640x64xf32, #tpu.memory_space<hbm>>)
        tpu.yield
      }) : () -> ()
      %lt3A = arith.constant 4 : i32
      %lt3A_124 = arith.cmpi slt, %scan3A_58, %lt3A : i32
      %convert_element_type3A = arith.extui %lt3A_124 : i1 to i32
      %cond3A = arith.constant 0 : i32
      %cond3A_125 = arith.cmpi ne, %convert_element_type3A, %cond3A : i32
      scf.if %cond3A_125 {
        %add3A_143 = arith.constant 2 : i32
        %add3A_144 = arith.addi %mul3A_60, %add3A_143 : i32
        %mul3A_145 = arith.constant 640 : i32
        %mul3A_146 = arith.muli %add3A_144, %mul3A_145 : i32
        %add3A_147 = arith.constant 0 : i32
        %add3A_148 = arith.addi %mul3A_146, %add3A_147 : i32
        %dma_start3A_149 = arith.constant 0 : i32
        %dma_start3A_150 = arith.constant 0 : i32
        %dma_start3A_151 = tpu.memref_slice %arg7[%dma_start3A_149, %dma_start3A_150] : memref<640x64xf32, #tpu.memory_space<vmem>> -> memref<128x64xf32, #tpu.memory_space<vmem>>
        %dma_start3A_152 = tpu.memref_slice %arg6[%add3A_148] : memref<6400xi32, #tpu.memory_space<vmem>> -> memref<128xi32, #tpu.memory_space<vmem>>
        %dma_start3A_153 = arith.constant 0 : i32
        %dma_start3A_154 = arith.constant 0 : i32
        %dma_start3A_155 = tpu.memref_slice %arg3[%dma_start3A_153, %dma_start3A_154] : memref<1000000x64xf32, #tpu.memory_space<hbm>> -> memref<1000000x64xf32, #tpu.memory_space<hbm>>
        tpu.enqueue_indirect_dma source(%dma_start3A_155 : memref<1000000x64xf32, #tpu.memory_space<hbm>>) target(%dma_start3A_151 : memref<128x64xf32, #tpu.memory_space<vmem>>) offsets(%dma_start3A_152 : memref<128xi32, #tpu.memory_space<vmem>>) semaphore(%arg10 : memref<!tpu.dma_semaphore, #tpu.memory_space<semaphore_mem>>)
        %add3A_156 = arith.constant 128 : i32
        %add3A_157 = arith.addi %mul3A_146, %add3A_156 : i32
        %dma_start3A_158 = arith.constant 128 : i32
        %dma_start3A_159 = arith.constant 0 : i32
        %dma_start3A_160 = tpu.memref_slice %arg7[%dma_start3A_158, %dma_start3A_159] : memref<640x64xf32, #tpu.memory_space<vmem>> -> memref<128x64xf32, #tpu.memory_space<vmem>>
        %dma_start3A_161 = tpu.memref_slice %arg6[%add3A_157] : memref<6400xi32, #tpu.memory_space<vmem>> -> memref<128xi32, #tpu.memory_space<vmem>>
        %dma_start3A_162 = arith.constant 0 : i32
        %dma_start3A_163 = arith.constant 0 : i32
        %dma_start3A_164 = tpu.memref_slice %arg3[%dma_start3A_162, %dma_start3A_163] : memref<1000000x64xf32, #tpu.memory_space<hbm>> -> memref<1000000x64xf32, #tpu.memory_space<hbm>>
        tpu.enqueue_indirect_dma source(%dma_start3A_164 : memref<1000000x64xf32, #tpu.memory_space<hbm>>) target(%dma_start3A_160 : memref<128x64xf32, #tpu.memory_space<vmem>>) offsets(%dma_start3A_161 : memref<128xi32, #tpu.memory_space<vmem>>) semaphore(%arg10 : memref<!tpu.dma_semaphore, #tpu.memory_space<semaphore_mem>>)
        %add3A_165 = arith.constant 256 : i32
        %add3A_166 = arith.addi %mul3A_146, %add3A_165 : i32
        %dma_start3A_167 = arith.constant 256 : i32
        %dma_start3A_168 = arith.constant 0 : i32
        %dma_start3A_169 = tpu.memref_slice %arg7[%dma_start3A_167, %dma_start3A_168] : memref<640x64xf32, #tpu.memory_space<vmem>> -> memref<128x64xf32, #tpu.memory_space<vmem>>
        %dma_start3A_170 = tpu.memref_slice %arg6[%add3A_166] : memref<6400xi32, #tpu.memory_space<vmem>> -> memref<128xi32, #tpu.memory_space<vmem>>
        %dma_start3A_171 = arith.constant 0 : i32
        %dma_start3A_172 = arith.constant 0 : i32
        %dma_start3A_173 = tpu.memref_slice %arg3[%dma_start3A_171, %dma_start3A_172] : memref<1000000x64xf32, #tpu.memory_space<hbm>> -> memref<1000000x64xf32, #tpu.memory_space<hbm>>
        tpu.enqueue_indirect_dma source(%dma_start3A_173 : memref<1000000x64xf32, #tpu.memory_space<hbm>>) target(%dma_start3A_169 : memref<128x64xf32, #tpu.memory_space<vmem>>) offsets(%dma_start3A_170 : memref<128xi32, #tpu.memory_space<vmem>>) semaphore(%arg10 : memref<!tpu.dma_semaphore, #tpu.memory_space<semaphore_mem>>)
        %add3A_174 = arith.constant 384 : i32
        %add3A_175 = arith.addi %mul3A_146, %add3A_174 : i32
        %dma_start3A_176 = arith.constant 384 : i32
        %dma_start3A_177 = arith.constant 0 : i32
        %dma_start3A_178 = tpu.memref_slice %arg7[%dma_start3A_176, %dma_start3A_177] : memref<640x64xf32, #tpu.memory_space<vmem>> -> memref<128x64xf32, #tpu.memory_space<vmem>>
        %dma_start3A_179 = tpu.memref_slice %arg6[%add3A_175] : memref<6400xi32, #tpu.memory_space<vmem>> -> memref<128xi32, #tpu.memory_space<vmem>>
        %dma_start3A_180 = arith.constant 0 : i32
        %dma_start3A_181 = arith.constant 0 : i32
        %dma_start3A_182 = tpu.memref_slice %arg3[%dma_start3A_180, %dma_start3A_181] : memref<1000000x64xf32, #tpu.memory_space<hbm>> -> memref<1000000x64xf32, #tpu.memory_space<hbm>>
        tpu.enqueue_indirect_dma source(%dma_start3A_182 : memref<1000000x64xf32, #tpu.memory_space<hbm>>) target(%dma_start3A_178 : memref<128x64xf32, #tpu.memory_space<vmem>>) offsets(%dma_start3A_179 : memref<128xi32, #tpu.memory_space<vmem>>) semaphore(%arg10 : memref<!tpu.dma_semaphore, #tpu.memory_space<semaphore_mem>>)
        %add3A_183 = arith.constant 512 : i32
        %add3A_184 = arith.addi %mul3A_146, %add3A_183 : i32
        %dma_start3A_185 = arith.constant 512 : i32
        %dma_start3A_186 = arith.constant 0 : i32
        %dma_start3A_187 = tpu.memref_slice %arg7[%dma_start3A_185, %dma_start3A_186] : memref<640x64xf32, #tpu.memory_space<vmem>> -> memref<128x64xf32, #tpu.memory_space<vmem>>
        %dma_start3A_188 = tpu.memref_slice %arg6[%add3A_184] : memref<6400xi32, #tpu.memory_space<vmem>> -> memref<128xi32, #tpu.memory_space<vmem>>
        %dma_start3A_189 = arith.constant 0 : i32
        %dma_start3A_190 = arith.constant 0 : i32
        %dma_start3A_191 = tpu.memref_slice %arg3[%dma_start3A_189, %dma_start3A_190] : memref<1000000x64xf32, #tpu.memory_space<hbm>> -> memref<1000000x64xf32, #tpu.memory_space<hbm>>
        tpu.enqueue_indirect_dma source(%dma_start3A_191 : memref<1000000x64xf32, #tpu.memory_space<hbm>>) target(%dma_start3A_187 : memref<128x64xf32, #tpu.memory_space<vmem>>) offsets(%dma_start3A_188 : memref<128xi32, #tpu.memory_space<vmem>>) semaphore(%arg10 : memref<!tpu.dma_semaphore, #tpu.memory_space<semaphore_mem>>)
      } else {
      }
      %dma_wait3A_126 = arith.constant 0 : i32
      %dma_wait3A_127 = arith.constant 0 : i32
      %dma_wait3A_128 = tpu.memref_slice %arg5[%dma_wait3A_126, %dma_wait3A_127] : memref<204800x64xf32, #tpu.memory_space<hbm>> -> memref<640x64xf32, #tpu.memory_space<hbm>>
      %dma_wait3A_129 = arith.constant 0 : i32
      %dma_wait3A_130 = arith.constant 0 : i32
      %dma_wait3A_131 = tpu.memref_slice %arg5[%dma_wait3A_129, %dma_wait3A_130] : memref<204800x64xf32, #tpu.memory_space<hbm>> -> memref<640x64xf32, #tpu.memory_space<hbm>>
      tpu.wait_dma2 semaphore(%arg11 : memref<!tpu.dma_semaphore, #tpu.memory_space<semaphore_mem>>) src(%dma_wait3A_131 : memref<640x64xf32, #tpu.memory_space<hbm>>) dst(%arg8 : memref<640x64xf32, #tpu.memory_space<vmem>>)
      %add3A_132 = arith.constant 1 : i32
      %add3A_133 = arith.addi %mul3A_60, %add3A_132 : i32
      %scan3A_134 = arith.constant 0 : i32
      %scan3A_135 = arith.constant 0 : i32
      %scan3A_136 = arith.constant 640 : i32
      %scan3A_137 = arith.addi %scan3A_135, %scan3A_136 : i32
      %scan3A_138 = arith.constant 2 : i32
      scf.for %scan3A_143 = %scan3A_135 to %scan3A_137 step %scan3A_138  : i32 {
        %swap3A = arith.index_cast %scan3A_143 : i32 to index
        %swap3A_144 = arith.constant 0 : index
        %swap3A_145 = tpu.vector_load %arg8[%swap3A, %swap3A_144] {strides = array<i32>} : memref<640x64xf32, #tpu.memory_space<vmem>>, vector<1x16xf32>,
        %swap3A_146 = vector.shape_cast %swap3A_145 : vector<1x16xf32> to vector<16xf32>
        %swap3A_147 = vector.shape_cast %get3A_4 : vector<16xf32> to vector<1x16xf32>
        tpu.vector_store %arg8[%swap3A, %swap3A_144], %swap3A_147 {add = true, strides = array<i32>} : memref<640x64xf32, #tpu.memory_space<vmem>>, vector<1x16xf32>,
        %swap3A_148 = arith.index_cast %scan3A_143 : i32 to index
        %swap3A_149 = arith.constant 16 : index
        %swap3A_150 = tpu.vector_load %arg8[%swap3A_148, %swap3A_149] {strides = array<i32>} : memref<640x64xf32, #tpu.memory_space<vmem>>, vector<1x16xf32>,
        %swap3A_151 = vector.shape_cast %swap3A_150 : vector<1x16xf32> to vector<16xf32>
        %swap3A_152 = vector.shape_cast %get3A_7 : vector<16xf32> to vector<1x16xf32>
        tpu.vector_store %arg8[%swap3A_148, %swap3A_149], %swap3A_152 {add = true, strides = array<i32>} : memref<640x64xf32, #tpu.memory_space<vmem>>, vector<1x16xf32>,
        %swap3A_153 = arith.index_cast %scan3A_143 : i32 to index
        %swap3A_154 = arith.constant 32 : index
        %swap3A_155 = tpu.vector_load %arg8[%swap3A_153, %swap3A_154] {strides = array<i32>} : memref<640x64xf32, #tpu.memory_space<vmem>>, vector<1x16xf32>,
        %swap3A_156 = vector.shape_cast %swap3A_155 : vector<1x16xf32> to vector<16xf32>
        %swap3A_157 = vector.shape_cast %get3A_10 : vector<16xf32> to vector<1x16xf32>
        tpu.vector_store %arg8[%swap3A_153, %swap3A_154], %swap3A_157 {add = true, strides = array<i32>} : memref<640x64xf32, #tpu.memory_space<vmem>>, vector<1x16xf32>,
        %swap3A_158 = arith.index_cast %scan3A_143 : i32 to index
        %swap3A_159 = arith.constant 48 : index
        %swap3A_160 = tpu.vector_load %arg8[%swap3A_158, %swap3A_159] {strides = array<i32>} : memref<640x64xf32, #tpu.memory_space<vmem>>, vector<1x16xf32>,
        %swap3A_161 = vector.shape_cast %swap3A_160 : vector<1x16xf32> to vector<16xf32>
        %swap3A_162 = vector.shape_cast %get3A_13 : vector<16xf32> to vector<1x16xf32>
        tpu.vector_store %arg8[%swap3A_158, %swap3A_159], %swap3A_162 {add = true, strides = array<i32>} : memref<640x64xf32, #tpu.memory_space<vmem>>, vector<1x16xf32>,
        %scan3A_163 = arith.constant 1 : i32
        %scan3A_164 = arith.addi %scan3A_143, %scan3A_163 : i32
        %swap3A_165 = arith.index_cast %scan3A_164 : i32 to index
        %swap3A_166 = arith.constant 0 : index
        %swap3A_167 = tpu.vector_load %arg8[%swap3A_165, %swap3A_166] {strides = array<i32>} : memref<640x64xf32, #tpu.memory_space<vmem>>, vector<1x16xf32>,
        %swap3A_168 = vector.shape_cast %swap3A_167 : vector<1x16xf32> to vector<16xf32>
        %swap3A_169 = vector.shape_cast %get3A_4 : vector<16xf32> to vector<1x16xf32>
        tpu.vector_store %arg8[%swap3A_165, %swap3A_166], %swap3A_169 {add = true, strides = array<i32>} : memref<640x64xf32, #tpu.memory_space<vmem>>, vector<1x16xf32>,
        %swap3A_170 = arith.index_cast %scan3A_164 : i32 to index
        %swap3A_171 = arith.constant 16 : index
        %swap3A_172 = tpu.vector_load %arg8[%swap3A_170, %swap3A_171] {strides = array<i32>} : memref<640x64xf32, #tpu.memory_space<vmem>>, vector<1x16xf32>,
        %swap3A_173 = vector.shape_cast %swap3A_172 : vector<1x16xf32> to vector<16xf32>
        %swap3A_174 = vector.shape_cast %get3A_7 : vector<16xf32> to vector<1x16xf32>
        tpu.vector_store %arg8[%swap3A_170, %swap3A_171], %swap3A_174 {add = true, strides = array<i32>} : memref<640x64xf32, #tpu.memory_space<vmem>>, vector<1x16xf32>,
        %swap3A_175 = arith.index_cast %scan3A_164 : i32 to index
        %swap3A_176 = arith.constant 32 : index
        %swap3A_177 = tpu.vector_load %arg8[%swap3A_175, %swap3A_176] {strides = array<i32>} : memref<640x64xf32, #tpu.memory_space<vmem>>, vector<1x16xf32>,
        %swap3A_178 = vector.shape_cast %swap3A_177 : vector<1x16xf32> to vector<16xf32>
        %swap3A_179 = vector.shape_cast %get3A_10 : vector<16xf32> to vector<1x16xf32>
        tpu.vector_store %arg8[%swap3A_175, %swap3A_176], %swap3A_179 {add = true, strides = array<i32>} : memref<640x64xf32, #tpu.memory_space<vmem>>, vector<1x16xf32>,
        %swap3A_180 = arith.index_cast %scan3A_164 : i32 to index
        %swap3A_181 = arith.constant 48 : index
        %swap3A_182 = tpu.vector_load %arg8[%swap3A_180, %swap3A_181] {strides = array<i32>} : memref<640x64xf32, #tpu.memory_space<vmem>>, vector<1x16xf32>,
        %swap3A_183 = vector.shape_cast %swap3A_182 : vector<1x16xf32> to vector<16xf32>
        %swap3A_184 = vector.shape_cast %get3A_13 : vector<16xf32> to vector<1x16xf32>
        tpu.vector_store %arg8[%swap3A_180, %swap3A_181], %swap3A_184 {add = true, strides = array<i32>} : memref<640x64xf32, #tpu.memory_space<vmem>>, vector<1x16xf32>,
      }
      %scan3A_139 = arith.constant 640 : i32
      %mul3A_140 = arith.constant 640 : i32
      %mul3A_141 = arith.muli %add3A_133, %mul3A_140 : i32
      %add3A_142 = arith.addi %mul3A_2, %mul3A_141 : i32
      "tpu.region"() ({
        %run_scoped3A = tpu.sem_alloc : memref<!tpu.dma_semaphore, #tpu.memory_space<semaphore_mem>>
        %dma_start3A_143 = arith.constant 0 : i32
        %dma_start3A_144 = tpu.memref_slice %arg5[%add3A_142, %dma_start3A_143] : memref<204800x64xf32, #tpu.memory_space<hbm>> -> memref<640x64xf32, #tpu.memory_space<hbm>>
        %dma_start3A_145 = arith.constant 0 : i32
        %dma_start3A_146 = tpu.memref_slice %arg5[%add3A_142, %dma_start3A_145] : memref<204800x64xf32, #tpu.memory_space<hbm>> -> memref<640x64xf32, #tpu.memory_space<hbm>>
        tpu.enqueue_dma source(%arg8 : memref<640x64xf32, #tpu.memory_space<vmem>>) target(%dma_start3A_146 : memref<640x64xf32, #tpu.memory_space<hbm>>) target_semaphore(%run_scoped3A : memref<!tpu.dma_semaphore, #tpu.memory_space<semaphore_mem>>)
        %dma_wait3A_147 = arith.constant 0 : i32
        %dma_wait3A_148 = tpu.memref_slice %arg5[%add3A_142, %dma_wait3A_147] : memref<204800x64xf32, #tpu.memory_space<hbm>> -> memref<640x64xf32, #tpu.memory_space<hbm>>
        %dma_wait3A_149 = arith.constant 0 : i32
        %dma_wait3A_150 = tpu.memref_slice %arg5[%add3A_142, %dma_wait3A_149] : memref<204800x64xf32, #tpu.memory_space<hbm>> -> memref<640x64xf32, #tpu.memory_space<hbm>>
        tpu.wait_dma2 semaphore(%run_scoped3A : memref<!tpu.dma_semaphore, #tpu.memory_space<semaphore_mem>>) src(%arg8 : memref<640x64xf32, #tpu.memory_space<vmem>>) dst(%dma_wait3A_150 : memref<640x64xf32, #tpu.memory_space<hbm>>)
        tpu.yield
      }) : () -> ()
    }
    %scan3A_57 = arith.constant 5 : i32
    return
  }
}

</mosaic_0001>

<sc_bundles>
// kernel: _sc_embed.3.cloned.1.call-start
scs
__scs_entry_jumppad:
0x0: {  	(pc) =	sbr.rel $0x88, $3  }
0x1: {  	(tag) =	ssettag $0x0;
	lr =	simm.s32 $0x1  }
0x2: {  	[smem:$0x3F9E] =	sst lr;
	_ =	strace $0xD0000000  }
0x3: {  	_ = 	snop  }
0x4: {  	_ = 	snop  }
0x5: {  	_ = 	snop  }
0x6: {  	_ = 	snop  }
0x7: {  	_ = 	snop  }
__scs_overlays_trampoline_lowered:
0x8: {  	[smem:$0x3FAD] =	sst s0  }
0x9: {  	[smem:$0x3FAE] =	sst s1  }
0xa: {  	[smem:$0x3FAF] =	sst s2  }
0xb: {  	[smem:$0x3FB0] =	sst s3  }
0xc: {  	[smem:$0x3FB1] =	sst s4  }
0xd: {  	[smem:$0x3FB2] =	sst s5  }
0xe: {  	[smem:$0x3FB3] =	sst s6  }
0xf: {  	[smem:$0x3FB4] =	sst s7  }
0x10: {  	[smem:$0x3FB5] =	sst s8  }
0x11: {  	[smem:$0x3FB6] =	sst s9;
	s0 =	simm.s32 @!p0 $0x0  }
0x12: {  	s1 =	sld [smem:$0x3F9C];
	s0 =	simm.s32 @p0 $0x1  }
0x13: {  	[smem:$0x3FB7] =	sst s0;
	s0 =	simm.s32 @!p1 $0x0  }
0x14: {  	s2 =	sld [smem:$0x3F9B];
	s0 =	simm.s32 @p1 $0x1  }
0x15: {  	[smem:$0x3FB8] =	sst s0;
	s0 =	simm.s32 @!p2 $0x0  }
0x16: {  	s3 =	sld [smem:$0x3FDB];
	s0 =	simm.s32 @p2 $0x1  }
0x17: {  	s4 =	simm.s32 $0x1BF5;
	[smem:$0x3FBA] =	sst s0  }
0x18: {  	s0 =	sld [smem:$0x3F9D];
	_ =	swait.ge [sflag:s4], $0x0  }
0x19: {  	s7 =	sld [smem:$0x3F9E]  }
0x1a: {  	s8 =	sadd.s32 $0xFFFFE003, lr  }
0x1b: {  	s9 =	sadd.s32 $0xFFFFFEF7, lr;
	s5 =	simm.s32 $0xFFFFFFFF;
	p2 =	slt.u32 s8, $0xFFFFF086  }
0x1c: {  	p1 =	slt.u32 s9, $0xF7A;
	s5 =	simm.s32 @!p2 $0x0  }
0x1d: {  	s5 =	simm.s32 @p1 $0x1;
	p0 =	seq.s32 s7, s2  }
0x1e: {  	s7 =	smul.u32 @!p0 $0xF7A, s2;
	p2 =	seq.s32 @!p0 s5, $0x0  }
0x1f: {  	s9 =	smul.u32 $0xF7A, s1;
	s8 =	simm.s32 @!p0 $0x1BF5;
	p2 =	por !p2, p0  }
0x20: {  	[sflag:s8] =	ssyncset.s32 @!p0 $0xFFFFF086;
	s6 =	sadd.s32 @!p0 s3, s7;
	s7 =	simm.s32 @!p0 $0x108  }
0x21: {  	s3 =	sadd.s32 s3, s9;
	s6 =	sadd.s32 @!p0 $0x88, s6;
	s7 =	simm.s32 @p2 $0x1082  }
0x22: {  	[simem:s7], [sflag:s8] =	dma.local @!p0 [hbm:s6], $0xF7A  }
0x23: {  	s9 =	sor.u32 $0xD0000000, s2;
	s6 =	simm.s32 $0x108;
	_ =	swait.ge @!p0 [sflag:s8], $0x0  }
0x24: {  	s3 =	sadd.s32 $0x88, s3;
	s6 =	simm.s32 @!p1 $0x1082;
	[sflag:s4] =	ssyncset.s32 $0xFFFFF086  }
0x25: {  	[simem:s6], [sflag:s4] =	dma.local [hbm:s3], $0xF7A  }
0x26: {  	[smem:$0x3F9E] =	sst s1;
	(tag) =	ssettag s2;
	_ =	strace s9  }
0x27: {  	s1 =	sld [smem:$0x3FAE]  }
0x28: {  	s2 =	sld [smem:$0x3FAF]  }
0x29: {  	s4 =	sld [smem:$0x3FB1]  }
0x2a: {  	p0 =	seq.s32 s5, $0x0;
	s5 =	sld [smem:$0x3FB2]  }
0x2b: {  	s6 =	sld [smem:$0x3FB3]  }
0x2c: {  	s7 =	sld [smem:$0x3FB4]  }
0x2d: {  	s3 =	simm.s32 $0x108;
	s8 =	sld [smem:$0x3FB5]  }
0x2e: {  	s3 =	simm.s32 @!p0 $0x1082;
	s9 =	sld [smem:$0x3FB6]  }
0x2f: {  	lr =	sadd.s32 s0, s3;
	s0 =	sld [smem:$0x3FAD]  }
0x30: {  	s3 =	sld [smem:$0x3FB0]  }
0x31: {  	[smem:$0x3FB9] =	sst s10  }
0x32: {  	s10 =	sld [smem:$0x3FB7];
	_ =	sdelay $0x3  }
0x33: {  	p0 =	seq.s32 s10, $0x1;
	s10 =	sld [smem:$0x3FB9];
	_ =	sdelay $0x3  }
0x34: {  	[smem:$0x3FB9] =	sst s10  }
0x35: {  	s10 =	sld [smem:$0x3FB8];
	_ =	sdelay $0x3  }
0x36: {  	p1 =	seq.s32 s10, $0x1;
	s10 =	sld [smem:$0x3FB9];
	_ =	sdelay $0x3  }
0x37: {  	[smem:$0x3FB9] =	sst s10  }
0x38: {  	s10 =	sld [smem:$0x3FBA]  }
0x39: {  	_ = 	snop;
	(pc) =	sbr.ind lr, $3  }
0x3a: {  	_ = 	snop  }
0x3b: {  	_ = 	snop  }
0x3c: {  	p2 =	seq.s32 s10, $0x1;
	s10 =	sld [smem:$0x3FB9]  }
0x3d: {  	_ =	shalt  }
0x3e: {  	_ =	shalt  }
0x3f: {  	_ =	shalt  }
0x40: {  	_ =	shalt  }
0x41: {  	_ =	shalt  }
0x42: {  	_ =	shalt  }
0x43: {  	_ =	shalt  }
0x44: {  	_ =	shalt  }
0x45: {  	_ =	shalt  }
0x46: {  	_ =	shalt  }
0x47: {  	_ =	shalt  }
0x48: {  	_ =	shalt  }
0x49: {  	_ =	shalt  }
0x4a: {  	_ =	shalt  }
0x4b: {  	_ =	shalt  }
0x4c: {  	_ =	shalt  }
0x4d: {  	_ =	shalt  }
0x4e: {  	_ =	shalt  }
0x4f: {  	_ =	shalt  }
0x50: {  	_ =	shalt  }
0x51: {  	_ =	shalt  }
0x52: {  	_ =	shalt  }
0x53: {  	_ =	shalt  }
0x54: {  	_ =	shalt  }
0x55: {  	_ =	shalt  }
0x56: {  	_ =	shalt  }
0x57: {  	_ =	shalt  }
0x58: {  	_ =	shalt  }
0x59: {  	_ =	shalt  }
0x5a: {  	_ =	shalt  }
0x5b: {  	_ =	shalt  }
0x5c: {  	_ =	shalt  }
0x5d: {  	_ =	shalt  }
0x5e: {  	_ =	shalt  }
0x5f: {  	_ =	shalt  }
0x60: {  	_ =	shalt  }
0x61: {  	_ =	shalt  }
0x62: {  	_ =	shalt  }
0x63: {  	_ =	shalt  }
0x64: {  	_ =	shalt  }
0x65: {  	_ =	shalt  }
0x66: {  	_ =	shalt  }
0x67: {  	_ =	shalt  }
0x68: {  	_ =	shalt  }
0x69: {  	_ =	shalt  }
0x6a: {  	_ =	shalt  }
0x6b: {  	_ =	shalt  }
0x6c: {  	_ =	shalt  }
0x6d: {  	_ =	shalt  }
0x6e: {  	_ =	shalt  }
0x6f: {  	_ =	shalt  }
0x70: {  	_ =	shalt  }
0x71: {  	_ =	shalt  }
0x72: {  	_ =	shalt  }
0x73: {  	_ =	shalt  }
0x74: {  	_ =	shalt  }
0x75: {  	_ =	shalt  }
0x76: {  	_ =	shalt  }
0x77: {  	_ =	shalt  }
0x78: {  	_ =	shalt  }
0x79: {  	_ =	shalt  }
0x7a: {  	_ =	shalt  }
0x7b: {  	_ =	shalt  }
0x7c: {  	_ =	shalt  }
0x7d: {  	_ =	shalt  }
0x7e: {  	_ =	shalt  }
0x7f: {  	_ =	shalt  }
0x80: {  	_ =	shalt  }
0x81: {  	_ =	shalt  }
0x82: {  	_ =	shalt  }
0x83: {  	_ =	shalt  }
0x84: {  	_ =	shalt  }
0x85: {  	_ =	shalt  }
0x86: {  	_ =	shalt  }
0x87: {  	_ =	shalt  }
.Lfunc_end0:
.L_simem_size_0:
called_computation.1_lowered:
.L_overlay_start_0:
0x88: {  	s2 =	sld [smem:$0x3FD9]  }
0x89: {  	s3 =	sld [smem:$0x3FFE];
	_ =	sdelay $0x1  }
0x8a: {  	s1 =	srdreg.scid  }
0x8b: {  	s0 =	sand.u32 $0x1, s1  }
0x8c: {  	s17 =	sshll.u32 s0, $0xA;
	s2 =	sadd.s32 s3, s2  }
0x8d: {  	s2 =	sadd.s32 s2, s17  }
0x8e: {  	[smem:$0x3FC5] =	sst s2  }
0x8f: {  	_ = 	snop  }
0x90: {  	s2 =	sld [smem:$0x3FC9]  }
0x91: {  	s18 =	sld [smem:$0x3FC7]  }
0x92: {  	s4 =	sld [smem:$0x3FD0];
	(tm) =	ssettm $0x1  }
0x93: {  	s5 =	sld [smem:$0x3FFB];
	_ =	sdelay $0x3  }
0x94: {  	_ =	strace s5  }
0x95: {  	s5 =	sld [smem:$0x3FFC];
	_ =	sdelay $0x3  }
0x96: {  	_ =	strace s5  }
0x97: {  	s5 =	sld [smem:$0x3FFD];
	_ =	sdelay $0x3  }
0x98: {  	_ =	strace s5  }
0x99: {  	_ =	strace $0x8FFFFFFF  }
0x9a: {  	s19 =	sld [smem:$0x3FDB];
	_ =	sdelay $0x1  }
0x9b: {  	s6 =	simm.s32 $_scs_section_size  }
0x9c: {  	s7 =	simm.s32 $_size__tile_overlayer_lowered;
	s8 =	simm.s32 $_tile_overlayer_lowered  }
0x9d: {  	s22 =	simm.s32 $0x1BFF;
	s21 =	sshll.u32 s8, $0x1;
	s5 =	sadd.s32 s6, s19  }
0x9e: {  	s9 =	simm.s32 $0x0;
	s20 =	sshll.u32 s7, $0x1;
	s7 =	sadd.s32 s21, s5  }
0x9f: {  	[timem:s9], [sflag:s22] =	dma.local [hbm:s7], s20  }
0xa0: {  	_ =	swait.ge [sflag:s22], s20  }
0xa1: {  	s6 =	ssub.s32 $0x0, s20;
	[sflag:s22] =	ssyncset.done $0x0  }
0xa2: {  	[sflag:s22] =	ssyncadd.s32 s6;
	_ =	sdelay $0x1  }
0xa3: {  	s23 =	simm.s32 $0x1B8B  }
0xa4: {  	_ =	swait.ge [sflag:s23], $0x1  }
0xa5: {  	[sflag:s23] =	ssyncset.done $0x0  }
0xa6: {  	s25 =	simm.s32 $0x1B8E;
	s24 =	sld [smem:$0x3FFE];
	[sflag:s23] =	ssyncadd.s32 $0xFFFFFFFF  }
0xa7: {  	s26 =	simm.s32 $execute0_lowered;
	[smem:$0x3FD2] =	sst s25  }
0xa8: {  	s7 =	sshll.u32 s26, $0x1;
	_ =	strace $0x80000046;
	[dreg:$0x1] =	wrdreg $0xFFFFFFFF  }
0xa9: {  	s28 =	simm.s32 $_size_execute0_lowered;
	s5 =	sadd.s32 s5, s7;
	[dreg:$0x0] =	wrdreg $0x0  }
0xaa: {  	s7 =	sshll.u32 s28, $0x1;
	[dreg:$0x2] =	wrdreg s5  }
0xab: {  	[dreg:$0x3] =	wrdreg s7  }
0xac: {  	[dreg:$0x4] =	wrdreg $0xC0  }
0xad: {  	_ =	task [dreg:s9], $0x5FFFF  }
0xae: {  	[dreg:$0x1] =	wrdreg $0xFFFFFFFF  }
0xaf: {  	[dreg:$0x0] =	wrdreg $0x60  }
0xb0: {  	[dreg:$0x2] =	wrdreg s2  }
0xb1: {  	[dreg:$0x3] =	wrdreg s24  }
0xb2: {  	[dreg:$0x4] =	wrdreg s18  }
0xb3: {  	[dreg:$0x5] =	wrdreg s4  }
0xb4: {  	[dreg:$0x6] =	wrdreg $0x9  }
0xb5: {  	_ =	task.clear_ibuf [dreg:s9], $0x7FFFF;
	_ =	strace $0x90000046  }
0xb6: {  	s29 =	simm.s32 $0x9;
	_ =	strace $0x80000048  }
0xb7: {  	_ =	swait.ge [sflag:s29], $0x1  }
0xb8: {  	[sflag:s29] =	ssyncadd.s32 $0xFFFFFFFF  }
0xb9: {  	_ =	strace $0x90000048  }
0xba: {  	_ =	sfence  }
0xbb: {  	s30 =	sld [smem:$0x0];
	_ =	sdelay $0x2  }
0xbc: {  	s31 =	sshll.u32 s1, $0xD;
	s1 =	sshrl.u32 s1, $0x2  }
0xbd: {  	s3 =	sand.u32 $0x4000, s31;
	s1 =	sadd.s32 s1, s30  }
0xbe: {  	s0 =	sor.u32 s3, s0;
	s1 =	sshll.u32 s1, $0x11  }
0xbf: {  	s0 =	sor.u32 s1, s0  }
0xc0: {  	s0 =	sadd.s32 $0x8F2B, s0  }
0xc1: {  	[sflag:s0] =	ssyncadd.remote.s32 $0x1  }
0xc2: {  	_ =	sfence.sel $0xFFFF  }
0xc3: {  	[dreg:$0x0] =	wrdreg $0xFFFFFFFF;
	(pc) =	sbr.abs _section_cstart, $3  }
0xc4: {  	[dreg:$0x1] =	wrdreg $0xFFFFFFFF  }
0xc5: {  	_ =	task.clear_ibuf [dreg:s9], $0x2FFFF;
	_ =	strace $0x9FFFFFFF  }
0xc6: {  	(tm) =	ssettm $0x7FFFFFFF  }
0xc7: {  	_ =	shalt  }
tec
execute0_lowered:
.L_overlay_start_1:
0x0: {  	(tag) =	ssettag $0x1  }
0x1: {  	s0 =	rddreg [dreg:$0x0]  }
0x2: {  	s1 =	rddreg [dreg:$0x1];
	s4 =	srdreg.scid  }
0x3: {  	s2 =	stileid.u32;
	s3 =	rddreg [dreg:$0x3]  }
0x4: {  	s9 =	simm.s32 $0x3;
	s10 =	simm.s32 $0x15900;
	s11 =	simm.s32 $0x80  }
0x5: {  	s12 =	simm.s32 $0x1900;
	s13 =	simm.s32 $0x3900;
	s14 =	simm.s32 $0x100  }
0x6: {  	s15 =	simm.s32 $0x5900;
	s16 =	simm.s32 $0x180;
	s17 =	simm.s32 $0x7900  }
0x7: {  	s18 =	simm.s32 $0x200;
	s19 =	simm.s32 $0x9900;
	s20 =	simm.s32 $0xB900  }
0x8: {  	s21 =	simm.s32 $0xD900;
	s22 =	simm.s32 $0xF900;
	s23 =	simm.s32 $0x11900  }
0x9: {  	s24 =	simm.s32 $0x13900;
	s5 =	sand.u32 $0x1, s4;
	s6 =	sshll.u32 s2, $0x1  }
0xa: {  	s25 =	simm.s32 $0x1;
	s26 =	simm.s32 $0x2;
	s6 =	sor.u32 s5, s6  }
0xb: {  	s4 =	simm.s32 $0x0;
	s7 =	ssub.s32 $0x2, s5;
	s5 =	smul.u32 $0x1900, s6  }
0xc: {  	s28 =	simm.s32 $0x0;
	[smem:$0x7FF] =	sst s4;
	s8 =	sshrl.u32 s7, $0x1  }
0xd: {  	_ =	strace $0x80000047;
	s30 =	ssub.s32 s7, s8;
	s31 =	sshrl.u32 s5, $0x3  }
0xe: {  	s6 =	sadd.s32 $0xF42C00, s1;
	s8 =	smax.u32 s30, $0x1;
	s7 =	sadd.s32 s0, s31  }
.LBB2_1:
0xf: {  	[tilespmem:s4], [sflag:$0x3] =	stream.linear.gather [hbm4b:s7+s4], $0x1900, $0x38;
	[tilespmem:$0x15940] =	vst v63  }
0x10: {  	_ =	swait.ge [sflag:s9], $0x1900  }
0x11: {  	[sflag:s9] =	ssyncset.done $0x0  }
0x12: {  	[sflag:s9] =	ssyncadd.s32 $0xFFFFE700  }
0x13: {  	s0 =	rddreg [dreg:$0x2]  }
0x14: {  	[tilespmem:s10], [sflag:$0x3] =	stream.linear.gather [hbm4b:s0+s4], $0x40, $0x38;
	[tilespmem:$0x15940] =	vst v63  }
0x15: {  	_ =	swait.ge [sflag:s9], $0x40  }
0x16: {  	[sflag:s9] =	ssyncset.done $0x0  }
0x17: {  	[sflag:s9] =	ssyncadd.s32 $0xFFFFFFC0  }
0x18: {  	v0 =	vld [tilespmem:$0x15900]  }
0x19: {  	v1 =	vld [tilespmem:$0x15910]  }
0x1a: {  	v2 =	vld [tilespmem:$0x15920]  }
0x1b: {  	v3 =	vld [tilespmem:$0x15930];
	[tilespmem:s12], [sflag:$0x1] =	stream.indirect.gather [hbm4b:s6+s11], $0x40, s4, s11, $0xb8  }
0x1c: {  	_ = 	snop  }
0x1d: {  	[tilespmem:s13], [sflag:$0x1] =	stream.indirect.gather [hbm4b:s6+s11], $0x40, s11, s11, $0xb8;
	[tilespmem:$0x15940] =	vst v63  }
0x1e: {  	_ = 	snop  }
0x1f: {  	[tilespmem:s15], [sflag:$0x1] =	stream.indirect.gather [hbm4b:s6+s11], $0x40, s14, s11, $0xb8;
	[tilespmem:$0x15940] =	vst v63  }
0x20: {  	_ = 	snop  }
0x21: {  	[tilespmem:s17], [sflag:$0x1] =	stream.indirect.gather [hbm4b:s6+s11], $0x40, s16, s11, $0xb8;
	[tilespmem:$0x15940] =	vst v63  }
0x22: {  	s29 =	simm.s32 $0x0  }
0x23: {  	[tilespmem:s19], [sflag:$0x1] =	stream.indirect.gather [hbm4b:s6+s11], $0x40, s18, s11, $0xb8;
	[tilespmem:$0x15940] =	vst v63  }
.LBB2_2:
0x24: {  	s31 =	smul.u32 $0x500, s29;
	_ =	sdelay $0x1  }
0x25: {  	s30 =	sadd.s32 $0x280, s31  }
0x26: {  	[tilespmem:s20], [sflag:$0x2] =	stream.indirect.gather [hbm4b:s6+s11], $0x40, s30, s11, $0xb8;
	[tilespmem:$0x15940] =	vst v63  }
0x27: {  	s0 =	sadd.s32 $0x300, s31  }
0x28: {  	[tilespmem:s21], [sflag:$0x2] =	stream.indirect.gather [hbm4b:s6+s11], $0x40, s0, s11, $0xb8;
	[tilespmem:$0x15940] =	vst v63  }
0x29: {  	s2 =	sadd.s32 $0x380, s31  }
0x2a: {  	[tilespmem:s22], [sflag:$0x2] =	stream.indirect.gather [hbm4b:s6+s11], $0x40, s2, s11, $0xb8;
	[tilespmem:$0x15940] =	vst v63  }
0x2b: {  	s1 =	sadd.s32 $0x400, s31  }
0x2c: {  	[tilespmem:s23], [sflag:$0x2] =	stream.indirect.gather [hbm4b:s6+s11], $0x40, s1, s11, $0xb8;
	[tilespmem:$0x15940] =	vst v63  }
0x2d: {  	s2 =	sadd.s32 $0x480, s31  }
0x2e: {  	[tilespmem:s24], [sflag:$0x2] =	stream.indirect.gather [hbm4b:s6+s11], $0x40, s2, s11, $0xb8;
	[tilespmem:$0x15940] =	vst v63  }
0x2f: {  	_ =	swait.ge [sflag:s25], $0xA000  }
0x30: {  	[sflag:s25] =	ssyncset.done $0x0  }
0x31: {  	s1 =	simm.s32 $0x1900;
	[sflag:s25] =	ssyncadd.s32 $0xFFFF6000  }
0x32: {  	[tilespmem:s1+$0x0] =	vst.add.f32.msk $0xffff, v0  }
0x33: {  	[tilespmem:s1+$0x70] =	vst.add.f32.msk $0xffff, v3  }
0x34: {  	[tilespmem:s1+$0x60] =	vst.add.f32.msk $0xffff, v2  }
0x35: {  	[tilespmem:s1+$0x50] =	vst.add.f32.msk $0xffff, v1  }
0x36: {  	[tilespmem:s1+$0x40] =	vst.add.f32.msk $0xffff, v0  }
0x37: {  	[tilespmem:s1+$0x30] =	vst.add.f32.msk $0xffff, v3  }
0x38: {  	s0 =	simm.s32 $0x0;
	[tilespmem:s1+$0x20] =	vst.add.f32.msk $0xffff, v2  }
.LBB2_3:
0x39: {  	s0 =	sadd.s32 $0x2, s0;
	[tilespmem:s1+$0x10] =	vst.add.f32.msk $0xffff, v1;
	s1 =	sadd.s32 $0x80, s1  }
0x3a: {  	[tilespmem:s1+$0x0] =	vst.add.f32.msk $0xffff, v0;
	p0 =	slt.u32 s0, $0x27E  }
0x3b: {  	[tilespmem:s1+$0x70] =	vst.add.f32.msk $0xffff, v3  }
.Ltmp0:
0x3c: {  	[tilespmem:s1+$0x60] =	vst.add.f32.msk $0xffff, v2;
	(pc) =	sbr.rel @p0 .LBB2_3-.Ltmp0, $4  }
0x3d: {  	[tilespmem:s1+$0x50] =	vst.add.f32.msk $0xffff, v1  }
0x3e: {  	[tilespmem:s1+$0x40] =	vst.add.f32.msk $0xffff, v0  }
0x3f: {  	[tilespmem:s1+$0x30] =	vst.add.f32.msk $0xffff, v3  }
0x40: {  	[tilespmem:s1+$0x20] =	vst.add.f32.msk $0xffff, v2  }
0x41: {  	s0 =	sadd.s32 s5, s31  }
0x42: {  	s0 =	sshll.u32 s0, $0x3  }
0x43: {  	[tilespmem:s1+$0x10] =	vst.add.f32.msk $0xffff, v1;
	s0 =	sadd.s32 s3, s0  }
0x44: {  	[hbm4b:s0+s4] =	stream.linear.scatter [tilespmem:s12], [sflag:$0x3], $0xA000, $0x38;
	[tilespmem:$0x15940] =	vst v63  }
0x45: {  	p0 =	seq.s32 s29, $0x4;
	_ =	swait.ge [sflag:s9], $0xA000  }
0x46: {  	s1 =	simm.s32 @!p0 $0x80;
	[sflag:s9] =	ssyncset.done $0x0  }
0x47: {  	s2 =	simm.s32 @!p0 $0x1900;
	s0 =	sadd.s32 @!p0 $0x500, s31;
	[sflag:s9] =	ssyncadd.s32 $0xFFFF6000  }
0x48: {  	[tilespmem:s2], [sflag:$0x1] =	stream.indirect.gather @!p0 [hbm4b:s6+s1], $0x40, s0, s1, $0xb8;
	[tilespmem:$0x15940] =	vst v63  }
0x49: {  	s0 =	sadd.s32 @!p0 $0x580, s31;
	s2 =	simm.s32 @!p0 $0x3900  }
0x4a: {  	[tilespmem:s2], [sflag:$0x1] =	stream.indirect.gather @!p0 [hbm4b:s6+s1], $0x40, s0, s1, $0xb8;
	[tilespmem:$0x15940] =	vst v63  }
0x4b: {  	s0 =	sadd.s32 @!p0 $0x600, s31;
	s2 =	simm.s32 @!p0 $0x5900  }
0x4c: {  	[tilespmem:s2], [sflag:$0x1] =	stream.indirect.gather @!p0 [hbm4b:s6+s1], $0x40, s0, s1, $0xb8;
	[tilespmem:$0x15940] =	vst v63  }
0x4d: {  	s0 =	sadd.s32 @!p0 $0x680, s31;
	s2 =	simm.s32 @!p0 $0x7900  }
0x4e: {  	[tilespmem:s2], [sflag:$0x1] =	stream.indirect.gather @!p0 [hbm4b:s6+s1], $0x40, s0, s1, $0xb8;
	[tilespmem:$0x15940] =	vst v63  }
0x4f: {  	s0 =	sadd.s32 @!p0 $0x700, s31;
	s2 =	simm.s32 @!p0 $0x9900  }
0x50: {  	[tilespmem:s2], [sflag:$0x1] =	stream.indirect.gather @!p0 [hbm4b:s6+s1], $0x40, s0, s1, $0xb8;
	[tilespmem:$0x15940] =	vst v63  }
0x51: {  	_ =	swait.ge [sflag:s26], $0xA000  }
0x52: {  	[sflag:s26] =	ssyncset.done $0x0  }
0x53: {  	s31 =	simm.s32 $0xB900;
	[sflag:s26] =	ssyncadd.s32 $0xFFFF6000  }
0x54: {  	[tilespmem:s31+$0x0] =	vst.add.f32.msk $0xffff, v0  }
0x55: {  	[tilespmem:s31+$0x70] =	vst.add.f32.msk $0xffff, v3  }
0x56: {  	[tilespmem:s31+$0x60] =	vst.add.f32.msk $0xffff, v2  }
0x57: {  	[tilespmem:s31+$0x50] =	vst.add.f32.msk $0xffff, v1  }
0x58: {  	[tilespmem:s31+$0x40] =	vst.add.f32.msk $0xffff, v0  }
0x59: {  	[tilespmem:s31+$0x30] =	vst.add.f32.msk $0xffff, v3  }
0x5a: {  	s0 =	simm.s32 $0x0;
	[tilespmem:s31+$0x20] =	vst.add.f32.msk $0xffff, v2  }
.LBB2_5:
0x5b: {  	s0 =	sadd.s32 $0x2, s0;
	[tilespmem:s31+$0x10] =	vst.add.f32.msk $0xffff, v1;
	s31 =	sadd.s32 $0x80, s31  }
0x5c: {  	[tilespmem:s31+$0x0] =	vst.add.f32.msk $0xffff, v0;
	p0 =	slt.u32 s0, $0x27E  }
0x5d: {  	[tilespmem:s31+$0x70] =	vst.add.f32.msk $0xffff, v3  }
.Ltmp1:
0x5e: {  	[tilespmem:s31+$0x60] =	vst.add.f32.msk $0xffff, v2;
	(pc) =	sbr.rel @p0 .LBB2_5-.Ltmp1, $4  }
0x5f: {  	[tilespmem:s31+$0x50] =	vst.add.f32.msk $0xffff, v1  }
0x60: {  	[tilespmem:s31+$0x40] =	vst.add.f32.msk $0xffff, v0  }
0x61: {  	[tilespmem:s31+$0x30] =	vst.add.f32.msk $0xffff, v3  }
0x62: {  	[tilespmem:s31+$0x20] =	vst.add.f32.msk $0xffff, v2  }
0x63: {  	s0 =	sadd.s32 s5, s30  }
0x64: {  	s29 =	sadd.s32 $0x1, s29;
	s0 =	sshll.u32 s0, $0x3  }
0x65: {  	p0 =	sne.s32 s29, $0x5;
	s0 =	sand.u32 $0x1FFFFC00, s0  }
.Ltmp2:
0x66: {  	[tilespmem:s31+$0x10] =	vst.add.f32.msk $0xffff, v1;
	s0 =	sadd.s32 s3, s0;
	(pc) =	sbr.rel @p0 .LBB2_2-.Ltmp2, $4  }
0x67: {  	[hbm4b:s0+s4] =	stream.linear.scatter [tilespmem:s20], [sflag:$0x3], $0xA000, $0x38;
	[tilespmem:$0x15940] =	vst v63  }
0x68: {  	_ =	swait.ge [sflag:s9], $0xA000  }
0x69: {  	[sflag:s9] =	ssyncset.done $0x0  }
0x6a: {  	[sflag:s9] =	ssyncadd.s32 $0xFFFF6000  }
0x6b: {  	s28 =	sadd.s32 $0x1, s28  }
0x6c: {  	p0 =	sne.s32 s28, s8  }
.Ltmp3:
0x6d: {  	_ = 	snop;
	(pc) =	sbr.rel @p0 .LBB2_1-.Ltmp3, $1  }
0x6e: {  	_ =	sdelay $0x3  }
0x6f: {  	_ =	sfence.sel $0x180000  }
0x70: {  	[bflag:$0x0] =	sbarrier.arrive $0xFFFF  }
0x71: {  	_ =	strace $0x90000047  }
0x72: {  	s0 =	stileid.u32;
	[bflag:$0x2] =	sbarrier.arrive $0xFFFF  }
0x73: {  	p0 =	sne.s32 s0, $0x0;
	s0 =	rddreg [dreg:$0x4]  }
0x74: {  	s0 =	sadd.s32 @!p0 $0x100000, s0  }
0x75: {  	[sflag:s0] =	ssyncadd.tile.s32 @!p0 $0x1;
	_ =	shalt  }
.Lfunc_end2:
_tile_overlayer_lowered:
.L_overlay_start_2:
0x76: {  	(tag) =	ssettag $0x2  }
0x77: {  	s0 =	rddreg [dreg:$0x0];
	s2 =	stileid.u32  }
0x78: {  	s1 =	rddreg [dreg:$0x1];
	p0 =	sne.s32 s2, $0x0  }
0x79: {  	s3 =	rddreg [dreg:$0x2];
	[bflag:$0x3] =	sbarrier.arrive $0xFFFF;
	s2 =	simm.s32 @!p0 $0x1C03  }
0x7a: {  	[timem:s3], [sflag:s2] =	dma.local @!p0 [hbm:s0], s1  }
0x7b: {  	s0 =	simm.s32 @!p0 $0x3  }
0x7c: {  	_ =	swait.ge @!p0 [sflag:s0], s1  }
0x7d: {  	s1 =	ssub.s32 @!p0 $0x0, s1;
	[sflag:s0] =	ssyncset.done @!p0 $0x0  }
0x7e: {  	[sflag:s0] =	ssyncadd.s32 @!p0 s1  }
0x7f: {  	[bflag:$0x3] =	sbarrier.arrive $0xFFFF  }
0x80: {  	_ =	shalt  }

// kernel: sparse-core-data-format-call.cloned.1.call-start
scs
called_computation_lowered:
.L_overlay_start_0:
0x0: {  	s2 =	sld [smem:$0x3FD9]  }
0x1: {  	s3 =	sld [smem:$0x3FFE];
	_ =	sdelay $0x1  }
0x2: {  	s1 =	srdreg.scid  }
0x3: {  	s0 =	sand.u32 $0x1, s1  }
0x4: {  	s18 =	sshll.u32 s0, $0xA;
	s2 =	sadd.s32 s3, s2  }
0x5: {  	s2 =	sadd.s32 s2, s18  }
0x6: {  	[smem:$0x3FC5] =	sst s2  }
0x7: {  	_ = 	snop  }
0x8: {  	s2 =	sld [smem:$0x3FD0];
	(tm) =	ssettm $0x1  }
0x9: {  	s19 =	sld [smem:$0x3FFB];
	_ =	sdelay $0x3  }
0xa: {  	_ =	strace s19  }
0xb: {  	s3 =	sld [smem:$0x3FFC];
	_ =	sdelay $0x3  }
0xc: {  	_ =	strace s3  }
0xd: {  	s3 =	sld [smem:$0x3FFD];
	_ =	sdelay $0x3  }
0xe: {  	_ =	strace s3  }
0xf: {  	_ =	strace $0x8FFFFFFF  }
0x10: {  	s20 =	sld [smem:$0x3FDB];
	_ =	sdelay $0x1  }
0x11: {  	s4 =	simm.s32 $_scs_section_size  }
0x12: {  	s5 =	simm.s32 $_size__tile_overlayer_lowered;
	s6 =	simm.s32 $_tile_overlayer_lowered  }
0x13: {  	s23 =	simm.s32 $0x1BFF;
	s22 =	sshll.u32 s6, $0x1;
	s3 =	sadd.s32 s4, s20  }
0x14: {  	s7 =	simm.s32 $0x0;
	s21 =	sshll.u32 s5, $0x1;
	s5 =	sadd.s32 s22, s3  }
0x15: {  	[timem:s7], [sflag:s23] =	dma.local [hbm:s5], s21  }
0x16: {  	_ =	swait.ge [sflag:s23], s21  }
0x17: {  	s4 =	ssub.s32 $0x0, s21;
	[sflag:s23] =	ssyncset.done $0x0  }
0x18: {  	[sflag:s23] =	ssyncadd.s32 s4;
	_ =	sdelay $0x1  }
0x19: {  	s24 =	simm.s32 $0x1B8B  }
0x1a: {  	_ =	swait.ge [sflag:s24], $0x1  }
0x1b: {  	[sflag:s24] =	ssyncset.done $0x0  }
0x1c: {  	s26 =	simm.s32 $0x1B8E;
	s25 =	sld [smem:$0x3FFE];
	[sflag:s24] =	ssyncadd.s32 $0xFFFFFFFF  }
0x1d: {  	s27 =	simm.s32 $execute0_lowered;
	[smem:$0x3FD2] =	sst s26  }
0x1e: {  	s5 =	sshll.u32 s27, $0x1;
	_ =	strace $0x80000049;
	[dreg:$0x1] =	wrdreg $0xFFFFFFFF  }
0x1f: {  	s28 =	simm.s32 $_size_execute0_lowered;
	s3 =	sadd.s32 s3, s5;
	[dreg:$0x0] =	wrdreg $0x0  }
0x20: {  	s5 =	sshll.u32 s28, $0x1;
	[dreg:$0x2] =	wrdreg s3  }
0x21: {  	[dreg:$0x3] =	wrdreg s5  }
0x22: {  	[dreg:$0x4] =	wrdreg $0xC0  }
0x23: {  	_ =	task [dreg:s7], $0x5FFFF  }
0x24: {  	[dreg:$0x1] =	wrdreg $0xFFFFFFFF  }
0x25: {  	[dreg:$0x0] =	wrdreg $0x60  }
0x26: {  	[dreg:$0x2] =	wrdreg s25  }
0x27: {  	[dreg:$0x3] =	wrdreg s2  }
0x28: {  	[dreg:$0x4] =	wrdreg $0x9  }
0x29: {  	_ =	task.clear_ibuf [dreg:s7], $0x5FFFF;
	_ =	strace $0x90000049  }
0x2a: {  	s29 =	simm.s32 $0x9;
	_ =	strace $0x8000004B  }
0x2b: {  	_ =	swait.ge [sflag:s29], $0x1  }
0x2c: {  	[sflag:s29] =	ssyncadd.s32 $0xFFFFFFFF  }
0x2d: {  	_ =	strace $0x9000004B  }
0x2e: {  	_ =	sfence  }
0x2f: {  	s30 =	sld [smem:$0x0];
	_ =	sdelay $0x2  }
0x30: {  	s31 =	sshll.u32 s1, $0xD;
	s1 =	sshrl.u32 s1, $0x2  }
0x31: {  	s3 =	sand.u32 $0x4000, s31;
	s1 =	sadd.s32 s1, s30  }
0x32: {  	s0 =	sor.u32 s3, s0;
	s1 =	sshll.u32 s1, $0x11  }
0x33: {  	s0 =	sor.u32 s1, s0  }
0x34: {  	s0 =	sadd.s32 $0x8F2B, s0  }
0x35: {  	[sflag:s0] =	ssyncadd.remote.s32 $0x1  }
0x36: {  	_ =	sfence.sel $0xFFFF  }
0x37: {  	[dreg:$0x0] =	wrdreg $0xFFFFFFFF;
	(pc) =	sbr.abs _section_cstart, $3  }
0x38: {  	[dreg:$0x1] =	wrdreg $0xFFFFFFFF  }
0x39: {  	_ =	task.clear_ibuf [dreg:s7], $0x2FFFF;
	_ =	strace $0x9FFFFFFF  }
0x3a: {  	(tm) =	ssettm $0x7FFFFFFF  }
0x3b: {  	_ =	shalt  }
tec
execute0_lowered:
.L_overlay_start_1:
0x0: {  	(tag) =	ssettag $0x1  }
0x1: {  	s0 =	srdreg.scid  }
0x2: {  	s1 =	sshll.u32 s0, $0x4  }
0x3: {  	s4 =	rddreg [dreg:$0x0];
	s0 =	stileid.u32;
	s1 =	sand.u32 $0x10, s1  }
0x4: {  	s2 =	rddreg [dreg:$0x1];
	s7 =	simm.s32 $0x1;
	s1 =	sor.u32 s0, s1  }
0x5: {  	s8 =	simm.s32 $0x2;
	s11 =	simm.s32 $0x0;
	s3 =	sshll.u32 s1, $0x7  }
0x6: {  	s10 =	simm.s32 $0x0;
	s4 =	sadd.s32 $0x800, s4;
	s6 =	ssub.s32 $0x32000, s3  }
.Ltmp0:
0x7: {  	s1 =	rddreg [dreg:$0x2];
	s5 =	sand.u32 $0xF80, s6;
	(pc) =	sbr.rel .LBB1_1-.Ltmp0, $4  }
0x8: {  	_ =	strace $0x8000004A;
	s9 =	smov.u32 s3;
	p0 =	sne.s32 s5, $0x0  }
0x9: {  	s6 =	sshrl.u32 s6, $0xC;
	s5 =	simm.s32 $0x1;
	s7 =	simm.s32 @!p0 $0x0  }
0xa: {  	[sflag:s5] =	ssyncpa.u1 $0x0;
	p0 =	por $0x0, $0x0;
	s6 =	sadd.s32 s7, s6  }
0xb: {  	[sflag:s8] =	ssyncpa.u1 $0x0;
	s8 =	simm.s32 $0x190000;
	s7 =	sadd.s32 $0x1, s6  }
.LBB1_4:
0xc: {  	s14 =	sshll.u32 s11, $0x3  }
0xd: {  	s30 =	sand.u32 $0x7F, s11;
	s15 =	sand.u32 $0xFFFFFC00, s14  }
0xe: {  	s11 =	sor.u32 s30, s15  }
0xf: {  	s15 =	smulhi.u32 $0x51EB851F, s11  }
0x10: {  	s14 =	smulhi.u32 $0x51EB851F, s14  }
0x11: {  	s15 =	sshrl.u32 s15, $0x10  }
0x12: {  	s14 =	sshrl.u32 s14, $0x10;
	s15 =	smul.u32 $0x32000, s15  }
0x13: {  	s14 =	sand.u32 $0x3F, s14  }
0x14: {  	s14 =	smul.u32 $0x6400, s14;
	s11 =	ssub.s32 s11, s15  }
0x15: {  	[tilespmem:s13+$0x810 ss:$0x81] =	vst.msk $0xffff, v2;
	s15 =	sand.u32 $0x7, s11  }
0x16: {  	[tilespmem:s13+$0x1020 ss:$0x81] =	vst.msk $0xffff, v0;
	s14 =	sadd.s32 s2, s14;
	s11 =	sshrl.u32 s11, $0x3;
	s15 =	sshll.u32 s15, $0x12  }
0x17: {  	[tilespmem:s13+$0x0 ss:$0x81] =	vst.msk $0xffff, v1;
	s11 =	sadd.s32 s11, s14;
	s31 =	sor.u32 $0x400, s15  }
0x18: {  	[hbm4b:s11+s31] =	stream.strided.scatter [tilespmem:s12], [sflag:$0x2], $0x2000, s8, s31, $0x20;
	[tilespmem:$0x8080] =	vst v63  }
.LBB1_5:
0x19: {  	s13 =	sadd.s32 $0x1000, s9  }
0x1a: {  	p2 =	sgt.s32 s13, $0x31FFF  }
0x1b: {  	s13 =	smov.u32 @p2 s3;
	p2 =	sne.s32 s10, s7  }
.Ltmp1:
0x1c: {  	p1 =	slt.u32 s10, $0x2;
	(pc) =	sbr.rel @!p2 .LBB1_6-.Ltmp1, $4  }
0x1d: {  	s12 =	simm.s32 @!p1 $0x2  }
0x1e: {  	s14 =	sadd.s32 $0x1, s10;
	_ =	swait.ge @!p1 [sflag:s12], $0x2000  }
0x1f: {  	s11 =	smov.u32 s9;
	p0 =	por !p0, !p0;
	[sflag:s12] =	ssyncset.done @!p1 $0x0  }
0x20: {  	s10 =	smov.u32 s14;
	s9 =	smov.u32 s13;
	[sflag:s12] =	ssyncadd.s32 @!p1 $0xFFFFE000  }
.LBB1_1:
0x21: {  	p1 =	sge.u32 s10, s6  }
0x22: {  	s12 =	sand.u32 @!p1 $0x1FFFFFF, s9  }
0x23: {  	s13 =	smulhi.u32 @!p1 $0x147AE15, s12;
	_ =	sdelay $0x1  }
0x24: {  	s13 =	sshrl.u32 @!p1 s13, $0xA  }
0x25: {  	s13 =	smul.u32 @!p1 $0x32000, s13;
	_ =	sdelay $0x1  }
0x26: {  	s31 =	sadd.s32 $0xFFFFFFFF, s10;
	s14 =	sxor.u32 @!p1 $0xFFFFFFFF, s10;
	s12 =	ssub.s32 @!p1 s12, s13  }
0x27: {  	s15 =	simm.s32 @!p1 $0x80;
	s14 =	sshll.u32 @!p1 s14, $0xD;
	s12 =	sshll.u32 @!p1 s12, $0x4  }
0x28: {  	s13 =	sand.u32 @!p1 $0x2000, s14;
	s14 =	simm.s32 @!p1 $0x40;
	s12 =	sadd.s32 @!p1 s4, s12  }
0x29: {  	[tilespmem:s13], [sflag:$0x1] =	stream.strided.gather @!p1 [hbm4b:s12+s14], $0x2000, s15, s14, $0x38;
	[tilespmem:$0x8080] =	vst v63  }
0x2a: {  	p1 =	sge.u32 s31, s6  }
.Ltmp2:
0x2b: {  	_ = 	snop;
	(pc) =	sbr.rel @p1 .LBB1_5-.Ltmp2, $1  }
0x2c: {  	_ =	sdelay $0x3  }
0x2d: {  	s12 =	simm.s32 $0x1  }
0x2e: {  	_ =	swait.ge [sflag:s5], $0x2000;
	s12 =	simm.s32 @!p0 $0x0  }
0x2f: {  	[sflag:s5] =	ssyncset.done $0x0;
	s13 =	sshll.u32 s12, $0xD  }
0x30: {  	[sflag:s5] =	ssyncadd.s32 $0xFFFFE000;
	s16 =	sor.u32 $0x20, s13  }
0x31: {  	s12 =	smul.u32 $0x8100, s12;
	v3 =	vld [tilespmem:s16+$0x10]  }
0x32: {  	s30 =	sand.u32 $0x1, s10;
	v2 =	vld [tilespmem:s16+$0xFFFFFFF0]  }
0x33: {  	s13 =	smul.u32 $0x8100, s30;
	s12 =	sshrl.u32 s12, $0x2;
	v0 =	vld [tilespmem:s16+$0x0]  }
0x34: {  	v1 =	vld [tilespmem:s16+$0xFFFFFFE0];
	s14 =	sor.u32 $0x4000, s12  }
0x35: {  	s31 =	sshrl.u32 s13, $0x2;
	s13 =	sadd.s32 $0x0, s14  }
0x36: {  	s15 =	simm.s32 $0x4;
	s16 =	sadd.s32 $0x40, s16;
	s12 =	sor.u32 $0x4000, s31;
	[tilespmem:s13+$0x1830 ss:$0x81] =	vst.msk $0xffff, v3  }
.LBB1_3:
0x37: {  	v3 =	vld [tilespmem:s16+$0x10];
	p1 =	sne.s32 s15, $0x1FC;
	[tilespmem:s13+$0x810 ss:$0x81] =	vst.msk $0xffff, v2;
	s17 =	smov.u32 s15;
	s15 =	sadd.s32 $0x4, s15  }
.Ltmp3:
0x38: {  	v2 =	vld [tilespmem:s16+$0xFFFFFFF0];
	[tilespmem:s13+$0x1020 ss:$0x81] =	vst.msk $0xffff, v0;
	(pc) =	sbr.rel @p1 .LBB1_3-.Ltmp3, $4  }
0x39: {  	v0 =	vld [tilespmem:s16+$0x0];
	[tilespmem:s13+$0x0 ss:$0x81] =	vst.msk $0xffff, v1  }
0x3a: {  	s13 =	sshra.s32 s17, $0x2;
	v1 =	vld [tilespmem:s16+$0xFFFFFFE0]  }
0x3b: {  	s13 =	sadd.s32 s13, s14  }
0x3c: {  	s16 =	sadd.s32 $0x40, s16;
	[tilespmem:s13+$0x1830 ss:$0x81] =	vst.msk $0xffff, v3  }
.Ltmp4:
0x3d: {  	_ = 	snop;
	(pc) =	sbr.rel .LBB1_4-.Ltmp4, $1  }
0x3e: {  	_ =	sdelay $0x3  }
.LBB1_6:
0x3f: {  	_ =	sfence.sel $0x180000  }
0x40: {  	s2 =	simm.s32 $0x1;
	[bflag:$0x0] =	sbarrier.arrive $0xFFFF  }
0x41: {  	s31 =	simm.s32 $0x2;
	[sflag:s2] =	ssyncpa.u1 $0x1  }
0x42: {  	[sflag:s31] =	ssyncpa.u1 $0x1  }
0x43: {  	p0 =	sne.s32 s0, $0x0;
	_ =	strace $0x9000004A  }
0x44: {  	s0 =	sadd.s32 @!p0 $0x100000, s1;
	[bflag:$0x2] =	sbarrier.arrive $0xFFFF  }
0x45: {  	[sflag:s0] =	ssyncadd.tile.s32 @!p0 $0x1;
	_ =	shalt  }
.Lfunc_end1:
_tile_overlayer_lowered:
.L_overlay_start_2:
0x46: {  	(tag) =	ssettag $0x2  }
0x47: {  	s0 =	rddreg [dreg:$0x0];
	s2 =	stileid.u32  }
0x48: {  	s1 =	rddreg [dreg:$0x1];
	p0 =	sne.s32 s2, $0x0  }
0x49: {  	s3 =	rddreg [dreg:$0x2];
	[bflag:$0x3] =	sbarrier.arrive $0xFFFF;
	s2 =	simm.s32 @!p0 $0x1C01  }
0x4a: {  	[timem:s3], [sflag:s2] =	dma.local @!p0 [hbm:s0], s1  }
0x4b: {  	s0 =	simm.s32 @!p0 $0x1  }
0x4c: {  	_ =	swait.ge @!p0 [sflag:s0], s1  }
0x4d: {  	s1 =	ssub.s32 @!p0 $0x0, s1;
	[sflag:s0] =	ssyncset.done @!p0 $0x0  }
0x4e: {  	[sflag:s0] =	ssyncadd.s32 @!p0 s1  }
0x4f: {  	[bflag:$0x3] =	sbarrier.arrive $0xFFFF  }
0x50: {  	_ =	shalt  }

</sc_bundles>
